<compile_context>
chip_gen: v7x
topology: tpu7x:2x2x1
jax: 0.10.2.dev20260603
libtpu: 0.0.44.dev20260713+nightly
codegen_flags: <defaults>
</compile_context>

<pallas_src>
import functools

import jax
import jax.numpy as jnp
from jax import lax
from jax.experimental import pallas as pl
from jax.experimental.pallas import tpu as pltpu
from jax.experimental.pallas import tpu_sc as plsc

WORLD_SIZE = 4
HALO = 8192
B = WORLD_SIZE * HALO
D = 256

_info = plsc.get_sparse_core_info()
NC = _info.num_cores
NS = _info.num_subcores
NW = NC * NS
B_PER_W = B // NW
CHUNK = 64
NCHUNK = B_PER_W // CHUNK
NBUF = 7


def _sc_gather(table, idx2d):
    mesh = plsc.VectorSubcoreMesh(core_axis_name="c", subcore_axis_name="s")

    @functools.partial(
        pl.kernel,
        mesh=mesh,
        out_type=jax.ShapeDtypeStruct((B, D), jnp.float32),
        scratch_types=(
            [pltpu.VMEM((NCHUNK, CHUNK), jnp.int32)]
            + [pltpu.VMEM((CHUNK, D), jnp.float32) for _ in range(NBUF)]
            + [pltpu.SemaphoreType.DMA for _ in range(2 * NBUF)]
        ),
    )
    def k(table_hbm, idx_hbm, out_hbm, idx_v, *bufs_and_sems):
        bufs = bufs_and_sems[:NBUF]
        gsem = bufs_and_sems[NBUF:2 * NBUF]
        osem = bufs_and_sems[2 * NBUF:]
        wid = lax.axis_index("s") * NC + lax.axis_index("c")
        base = wid * B_PER_W

        head = 8
        pltpu.sync_copy(idx_hbm.at[pl.ds(wid * NCHUNK, head)],
                        idx_v.at[pl.ds(0, head)])

        def start_gather(j):
            return pltpu.async_copy(
                table_hbm.at[idx_v.at[j]], bufs[j % NBUF], gsem[j % NBUF])

        def start_out(j):
            return pltpu.async_copy(
                bufs[j % NBUF], out_hbm.at[pl.ds(base + j * CHUNK, CHUNK)],
                osem[j % NBUF])

        gathers = [None] * NCHUNK
        for j in range(min(NBUF, NCHUNK)):
            gathers[j] = start_gather(j)
        if head < NCHUNK:
            pltpu.sync_copy(idx_hbm.at[pl.ds(wid * NCHUNK + head, NCHUNK - head)],
                            idx_v.at[pl.ds(head, NCHUNK - head)])
        outs = [None] * NCHUNK
        for j in range(NCHUNK):
            gathers[j].wait()
            outs[j] = start_out(j)
            if j + NBUF < NCHUNK:
                outs[j].wait()
                gathers[j + NBUF] = start_gather(j + NBUF)
        for j in range(max(0, NCHUNK - NBUF), NCHUNK):
            outs[j].wait()

    return k(table, idx2d)


def kernel(local, lidx):
    return _sc_gather(local, lidx.reshape(B // CHUNK, CHUNK))

# --- scband reference (transcript-rebuilt; emitter-appended) ---
"""Pipeline reference for scband-halo-exchanger-72584947302661 (READ-ONLY COPY).

The authoritative reference and input builder live on the scoring server;
editing this copy changes nothing except your own understanding.
"""

import jax, jax.numpy as jnp
import numpy as np

WORLD_SIZE = 4
RANK = 0
N_LOCAL = 100000
D = 256
HALO = 8192

def setup_inputs(seed: int = 0) -> dict:
    key = jax.random.key(seed)
    k1, k2 = jax.random.split(key)
    local = jax.random.normal(k1, (N_LOCAL, D), dtype=jnp.float32)
    # runtime_halos_lidxes: one index tensor per peer rank, values index into local elempart
    lidx = jax.random.randint(k2, (WORLD_SIZE, HALO), 0, N_LOCAL, dtype=jnp.int32)
    return {"local": local, "lidx": lidx}

def reference(local, lidx):
    # Single-process emulation of HaloExchanger.forward (is_for_selector=False, i.e. Reducer path).
    # In the distributed original: for each peer u != rank we isend local[lidx[u]] and irecv a buffer
    # of length runtime_recv_lengths[u]; for u == rank we append local[lidx[rank]] directly.
    # We emulate peers holding identical elemparts, so the recv buffer from peer u materializes as
    # local[lidx[u]] (same gather semantics and identical shapes as the preallocated recv_buffers).
    # Buffers are appended in rank order u = 0..world_size-1 and concatenated into chunk_v.
    pieces = []
    for u in range(WORLD_SIZE):
        if u == RANK:
            # Reducer: local contribution is local[runtime_halos_lidxes[rank]]
            pieces.append(jnp.take(local, lidx[u], axis=0))
        else:
            # emulated irecv buffer contents (peer's isend of its local[lidx])
            pieces.append(jnp.take(local, lidx[u], axis=0))
    chunk_v = jnp.concatenate(pieces, axis=0)  # torch.concat(recv_buffers, out=self.chunk_v)
    return chunk_v

if __name__ == "__main__":
    import jax
    _d = setup_inputs()
    print(jax.jit(kernel)(*tuple(_d.values())))

</pallas_src>

<mosaic_0001>
#map = affine_map<(d0, d1) -> (0, 0)>
module attributes {stable_mosaic.version = 14 : i64} {
  func.func @k(%arg0: i32, %arg1: i32, %arg2: memref<100000x256xf32, #tpu.memory_space<hbm>>, %arg3: memref<512x64xi32, #tpu.memory_space<hbm>>, %arg4: memref<32768x256xf32, #tpu.memory_space<hbm>>, %arg5: memref<16x64xi32, #tpu.memory_space<vmem>>, %arg6: memref<64x256xf32, #tpu.memory_space<vmem>>, %arg7: memref<64x256xf32, #tpu.memory_space<vmem>>, %arg8: memref<64x256xf32, #tpu.memory_space<vmem>>, %arg9: memref<64x256xf32, #tpu.memory_space<vmem>>, %arg10: memref<64x256xf32, #tpu.memory_space<vmem>>, %arg11: memref<64x256xf32, #tpu.memory_space<vmem>>, %arg12: memref<64x256xf32, #tpu.memory_space<vmem>>, %arg13: memref<!tpu.dma_semaphore, #tpu.memory_space<semaphore_mem>>, %arg14: memref<!tpu.dma_semaphore, #tpu.memory_space<semaphore_mem>>, %arg15: memref<!tpu.dma_semaphore, #tpu.memory_space<semaphore_mem>>, %arg16: memref<!tpu.dma_semaphore, #tpu.memory_space<semaphore_mem>>, %arg17: memref<!tpu.dma_semaphore, #tpu.memory_space<semaphore_mem>>, %arg18: memref<!tpu.dma_semaphore, #tpu.memory_space<semaphore_mem>>, %arg19: memref<!tpu.dma_semaphore, #tpu.memory_space<semaphore_mem>>, %arg20: memref<!tpu.dma_semaphore, #tpu.memory_space<semaphore_mem>>, %arg21: memref<!tpu.dma_semaphore, #tpu.memory_space<semaphore_mem>>, %arg22: memref<!tpu.dma_semaphore, #tpu.memory_space<semaphore_mem>>, %arg23: memref<!tpu.dma_semaphore, #tpu.memory_space<semaphore_mem>>, %arg24: memref<!tpu.dma_semaphore, #tpu.memory_space<semaphore_mem>>, %arg25: memref<!tpu.dma_semaphore, #tpu.memory_space<semaphore_mem>>, %arg26: memref<!tpu.dma_semaphore, #tpu.memory_space<semaphore_mem>>) attributes {dimension_semantics = [#tpu.dimension_semantics<core_parallel>, #tpu.dimension_semantics<subcore_parallel>], iteration_bounds = array<i64: 2, 16>, scalar_prefetch = 0 : i64, scratch_operands = 22 : i64, tpu.core_type = #tpu.core_type<sc_vector_subcore>, window_params = [{transform_indices = #map}, {transform_indices = #map}, {transform_indices = #map}]} {
    %mul3A = arith.constant 2 : i32
    %mul3A_0 = arith.muli %arg1, %mul3A : i32
    %add3A = arith.addi %mul3A_0, %arg0 : i32
    %mul3A_1 = arith.constant 1024 : i32
    %mul3A_2 = arith.muli %add3A, %mul3A_1 : i32
    %mul3A_3 = arith.constant 16 : i32
    %mul3A_4 = arith.muli %add3A, %mul3A_3 : i32
    "tpu.region"() ({
      %run_scoped3A = tpu.sem_alloc : memref<!tpu.dma_semaphore, #tpu.memory_space<semaphore_mem>>
      %dma_start3A_391 = arith.constant 0 : i32
      %dma_start3A_392 = arith.constant 0 : i32
      %dma_start3A_393 = tpu.memref_slice %arg5[%dma_start3A_391, %dma_start3A_392] : memref<16x64xi32, #tpu.memory_space<vmem>> -> memref<8x64xi32, #tpu.memory_space<vmem>>
      %dma_start3A_394 = arith.constant 0 : i32
      %dma_start3A_395 = tpu.memref_slice %arg3[%mul3A_4, %dma_start3A_394] : memref<512x64xi32, #tpu.memory_space<hbm>> -> memref<8x64xi32, #tpu.memory_space<hbm>>
      %dma_start3A_396 = arith.constant 0 : i32
      %dma_start3A_397 = arith.constant 0 : i32
      %dma_start3A_398 = tpu.memref_slice %arg5[%dma_start3A_396, %dma_start3A_397] : memref<16x64xi32, #tpu.memory_space<vmem>> -> memref<8x64xi32, #tpu.memory_space<vmem>>
      %dma_start3A_399 = arith.constant 0 : i32
      %dma_start3A_400 = tpu.memref_slice %arg3[%mul3A_4, %dma_start3A_399] : memref<512x64xi32, #tpu.memory_space<hbm>> -> memref<8x64xi32, #tpu.memory_space<hbm>>
      tpu.enqueue_dma source(%dma_start3A_400 : memref<8x64xi32, #tpu.memory_space<hbm>>) target(%dma_start3A_398 : memref<8x64xi32, #tpu.memory_space<vmem>>) target_semaphore(%run_scoped3A : memref<!tpu.dma_semaphore, #tpu.memory_space<semaphore_mem>>)
      %dma_wait3A_401 = arith.constant 0 : i32
      %dma_wait3A_402 = arith.constant 0 : i32
      %dma_wait3A_403 = tpu.memref_slice %arg5[%dma_wait3A_401, %dma_wait3A_402] : memref<16x64xi32, #tpu.memory_space<vmem>> -> memref<8x64xi32, #tpu.memory_space<vmem>>
      %dma_wait3A_404 = arith.constant 0 : i32
      %dma_wait3A_405 = tpu.memref_slice %arg3[%mul3A_4, %dma_wait3A_404] : memref<512x64xi32, #tpu.memory_space<hbm>> -> memref<8x64xi32, #tpu.memory_space<hbm>>
      %dma_wait3A_406 = arith.constant 0 : i32
      %dma_wait3A_407 = arith.constant 0 : i32
      %dma_wait3A_408 = tpu.memref_slice %arg5[%dma_wait3A_406, %dma_wait3A_407] : memref<16x64xi32, #tpu.memory_space<vmem>> -> memref<8x64xi32, #tpu.memory_space<vmem>>
      %dma_wait3A_409 = arith.constant 0 : i32
      %dma_wait3A_410 = tpu.memref_slice %arg3[%mul3A_4, %dma_wait3A_409] : memref<512x64xi32, #tpu.memory_space<hbm>> -> memref<8x64xi32, #tpu.memory_space<hbm>>
      tpu.wait_dma2 semaphore(%run_scoped3A : memref<!tpu.dma_semaphore, #tpu.memory_space<semaphore_mem>>) src(%dma_wait3A_410 : memref<8x64xi32, #tpu.memory_space<hbm>>) dst(%dma_wait3A_408 : memref<8x64xi32, #tpu.memory_space<vmem>>)
      tpu.yield
    }) : () -> ()
    %dma_start3A = arith.constant 0 : i32
    %dma_start3A_5 = arith.constant 0 : i32
    %dma_start3A_6 = tpu.memref_slice %arg5[%dma_start3A, %dma_start3A_5] : memref<16x64xi32, #tpu.memory_space<vmem>> -> memref<1x64xi32, #tpu.memory_space<vmem>>
    %dma_start3A_7 = tpu.memref_squeeze %dma_start3A_6 : memref<1x64xi32, #tpu.memory_space<vmem>> -> memref<64xi32, #tpu.memory_space<vmem>>
    %dma_start3A_8 = arith.constant 0 : i32
    %dma_start3A_9 = arith.constant 0 : i32
    %dma_start3A_10 = tpu.memref_slice %arg2[%dma_start3A_8, %dma_start3A_9] : memref<100000x256xf32, #tpu.memory_space<hbm>> -> memref<100000x256xf32, #tpu.memory_space<hbm>>
    tpu.enqueue_indirect_dma source(%dma_start3A_10 : memref<100000x256xf32, #tpu.memory_space<hbm>>) target(%arg6 : memref<64x256xf32, #tpu.memory_space<vmem>>) offsets(%dma_start3A_7 : memref<64xi32, #tpu.memory_space<vmem>>) semaphore(%arg13 : memref<!tpu.dma_semaphore, #tpu.memory_space<semaphore_mem>>)
    %dma_start3A_11 = arith.constant 1 : i32
    %dma_start3A_12 = arith.constant 0 : i32
    %dma_start3A_13 = tpu.memref_slice %arg5[%dma_start3A_11, %dma_start3A_12] : memref<16x64xi32, #tpu.memory_space<vmem>> -> memref<1x64xi32, #tpu.memory_space<vmem>>
    %dma_start3A_14 = tpu.memref_squeeze %dma_start3A_13 : memref<1x64xi32, #tpu.memory_space<vmem>> -> memref<64xi32, #tpu.memory_space<vmem>>
    %dma_start3A_15 = arith.constant 0 : i32
    %dma_start3A_16 = arith.constant 0 : i32
    %dma_start3A_17 = tpu.memref_slice %arg2[%dma_start3A_15, %dma_start3A_16] : memref<100000x256xf32, #tpu.memory_space<hbm>> -> memref<100000x256xf32, #tpu.memory_space<hbm>>
    tpu.enqueue_indirect_dma source(%dma_start3A_17 : memref<100000x256xf32, #tpu.memory_space<hbm>>) target(%arg7 : memref<64x256xf32, #tpu.memory_space<vmem>>) offsets(%dma_start3A_14 : memref<64xi32, #tpu.memory_space<vmem>>) semaphore(%arg14 : memref<!tpu.dma_semaphore, #tpu.memory_space<semaphore_mem>>)
    %dma_start3A_18 = arith.constant 2 : i32
    %dma_start3A_19 = arith.constant 0 : i32
    %dma_start3A_20 = tpu.memref_slice %arg5[%dma_start3A_18, %dma_start3A_19] : memref<16x64xi32, #tpu.memory_space<vmem>> -> memref<1x64xi32, #tpu.memory_space<vmem>>
    %dma_start3A_21 = tpu.memref_squeeze %dma_start3A_20 : memref<1x64xi32, #tpu.memory_space<vmem>> -> memref<64xi32, #tpu.memory_space<vmem>>
    %dma_start3A_22 = arith.constant 0 : i32
    %dma_start3A_23 = arith.constant 0 : i32
    %dma_start3A_24 = tpu.memref_slice %arg2[%dma_start3A_22, %dma_start3A_23] : memref<100000x256xf32, #tpu.memory_space<hbm>> -> memref<100000x256xf32, #tpu.memory_space<hbm>>
    tpu.enqueue_indirect_dma source(%dma_start3A_24 : memref<100000x256xf32, #tpu.memory_space<hbm>>) target(%arg8 : memref<64x256xf32, #tpu.memory_space<vmem>>) offsets(%dma_start3A_21 : memref<64xi32, #tpu.memory_space<vmem>>) semaphore(%arg15 : memref<!tpu.dma_semaphore, #tpu.memory_space<semaphore_mem>>)
    %dma_start3A_25 = arith.constant 3 : i32
    %dma_start3A_26 = arith.constant 0 : i32
    %dma_start3A_27 = tpu.memref_slice %arg5[%dma_start3A_25, %dma_start3A_26] : memref<16x64xi32, #tpu.memory_space<vmem>> -> memref<1x64xi32, #tpu.memory_space<vmem>>
    %dma_start3A_28 = tpu.memref_squeeze %dma_start3A_27 : memref<1x64xi32, #tpu.memory_space<vmem>> -> memref<64xi32, #tpu.memory_space<vmem>>
    %dma_start3A_29 = arith.constant 0 : i32
    %dma_start3A_30 = arith.constant 0 : i32
    %dma_start3A_31 = tpu.memref_slice %arg2[%dma_start3A_29, %dma_start3A_30] : memref<100000x256xf32, #tpu.memory_space<hbm>> -> memref<100000x256xf32, #tpu.memory_space<hbm>>
    tpu.enqueue_indirect_dma source(%dma_start3A_31 : memref<100000x256xf32, #tpu.memory_space<hbm>>) target(%arg9 : memref<64x256xf32, #tpu.memory_space<vmem>>) offsets(%dma_start3A_28 : memref<64xi32, #tpu.memory_space<vmem>>) semaphore(%arg16 : memref<!tpu.dma_semaphore, #tpu.memory_space<semaphore_mem>>)
    %dma_start3A_32 = arith.constant 4 : i32
    %dma_start3A_33 = arith.constant 0 : i32
    %dma_start3A_34 = tpu.memref_slice %arg5[%dma_start3A_32, %dma_start3A_33] : memref<16x64xi32, #tpu.memory_space<vmem>> -> memref<1x64xi32, #tpu.memory_space<vmem>>
    %dma_start3A_35 = tpu.memref_squeeze %dma_start3A_34 : memref<1x64xi32, #tpu.memory_space<vmem>> -> memref<64xi32, #tpu.memory_space<vmem>>
    %dma_start3A_36 = arith.constant 0 : i32
    %dma_start3A_37 = arith.constant 0 : i32
    %dma_start3A_38 = tpu.memref_slice %arg2[%dma_start3A_36, %dma_start3A_37] : memref<100000x256xf32, #tpu.memory_space<hbm>> -> memref<100000x256xf32, #tpu.memory_space<hbm>>
    tpu.enqueue_indirect_dma source(%dma_start3A_38 : memref<100000x256xf32, #tpu.memory_space<hbm>>) target(%arg10 : memref<64x256xf32, #tpu.memory_space<vmem>>) offsets(%dma_start3A_35 : memref<64xi32, #tpu.memory_space<vmem>>) semaphore(%arg17 : memref<!tpu.dma_semaphore, #tpu.memory_space<semaphore_mem>>)
    %dma_start3A_39 = arith.constant 5 : i32
    %dma_start3A_40 = arith.constant 0 : i32
    %dma_start3A_41 = tpu.memref_slice %arg5[%dma_start3A_39, %dma_start3A_40] : memref<16x64xi32, #tpu.memory_space<vmem>> -> memref<1x64xi32, #tpu.memory_space<vmem>>
    %dma_start3A_42 = tpu.memref_squeeze %dma_start3A_41 : memref<1x64xi32, #tpu.memory_space<vmem>> -> memref<64xi32, #tpu.memory_space<vmem>>
    %dma_start3A_43 = arith.constant 0 : i32
    %dma_start3A_44 = arith.constant 0 : i32
    %dma_start3A_45 = tpu.memref_slice %arg2[%dma_start3A_43, %dma_start3A_44] : memref<100000x256xf32, #tpu.memory_space<hbm>> -> memref<100000x256xf32, #tpu.memory_space<hbm>>
    tpu.enqueue_indirect_dma source(%dma_start3A_45 : memref<100000x256xf32, #tpu.memory_space<hbm>>) target(%arg11 : memref<64x256xf32, #tpu.memory_space<vmem>>) offsets(%dma_start3A_42 : memref<64xi32, #tpu.memory_space<vmem>>) semaphore(%arg18 : memref<!tpu.dma_semaphore, #tpu.memory_space<semaphore_mem>>)
    %dma_start3A_46 = arith.constant 6 : i32
    %dma_start3A_47 = arith.constant 0 : i32
    %dma_start3A_48 = tpu.memref_slice %arg5[%dma_start3A_46, %dma_start3A_47] : memref<16x64xi32, #tpu.memory_space<vmem>> -> memref<1x64xi32, #tpu.memory_space<vmem>>
    %dma_start3A_49 = tpu.memref_squeeze %dma_start3A_48 : memref<1x64xi32, #tpu.memory_space<vmem>> -> memref<64xi32, #tpu.memory_space<vmem>>
    %dma_start3A_50 = arith.constant 0 : i32
    %dma_start3A_51 = arith.constant 0 : i32
    %dma_start3A_52 = tpu.memref_slice %arg2[%dma_start3A_50, %dma_start3A_51] : memref<100000x256xf32, #tpu.memory_space<hbm>> -> memref<100000x256xf32, #tpu.memory_space<hbm>>
    tpu.enqueue_indirect_dma source(%dma_start3A_52 : memref<100000x256xf32, #tpu.memory_space<hbm>>) target(%arg12 : memref<64x256xf32, #tpu.memory_space<vmem>>) offsets(%dma_start3A_49 : memref<64xi32, #tpu.memory_space<vmem>>) semaphore(%arg19 : memref<!tpu.dma_semaphore, #tpu.memory_space<semaphore_mem>>)
    %mul3A_53 = arith.constant 16 : i32
    %mul3A_54 = arith.muli %add3A, %mul3A_53 : i32
    %add3A_55 = arith.constant 8 : i32
    %add3A_56 = arith.addi %mul3A_54, %add3A_55 : i32
    "tpu.region"() ({
      %run_scoped3A = tpu.sem_alloc : memref<!tpu.dma_semaphore, #tpu.memory_space<semaphore_mem>>
      %dma_start3A_391 = arith.constant 8 : i32
      %dma_start3A_392 = arith.constant 0 : i32
      %dma_start3A_393 = tpu.memref_slice %arg5[%dma_start3A_391, %dma_start3A_392] : memref<16x64xi32, #tpu.memory_space<vmem>> -> memref<8x64xi32, #tpu.memory_space<vmem>>
      %dma_start3A_394 = arith.constant 0 : i32
      %dma_start3A_395 = tpu.memref_slice %arg3[%add3A_56, %dma_start3A_394] : memref<512x64xi32, #tpu.memory_space<hbm>> -> memref<8x64xi32, #tpu.memory_space<hbm>>
      %dma_start3A_396 = arith.constant 8 : i32
      %dma_start3A_397 = arith.constant 0 : i32
      %dma_start3A_398 = tpu.memref_slice %arg5[%dma_start3A_396, %dma_start3A_397] : memref<16x64xi32, #tpu.memory_space<vmem>> -> memref<8x64xi32, #tpu.memory_space<vmem>>
      %dma_start3A_399 = arith.constant 0 : i32
      %dma_start3A_400 = tpu.memref_slice %arg3[%add3A_56, %dma_start3A_399] : memref<512x64xi32, #tpu.memory_space<hbm>> -> memref<8x64xi32, #tpu.memory_space<hbm>>
      tpu.enqueue_dma source(%dma_start3A_400 : memref<8x64xi32, #tpu.memory_space<hbm>>) target(%dma_start3A_398 : memref<8x64xi32, #tpu.memory_space<vmem>>) target_semaphore(%run_scoped3A : memref<!tpu.dma_semaphore, #tpu.memory_space<semaphore_mem>>)
      %dma_wait3A_401 = arith.constant 8 : i32
      %dma_wait3A_402 = arith.constant 0 : i32
      %dma_wait3A_403 = tpu.memref_slice %arg5[%dma_wait3A_401, %dma_wait3A_402] : memref<16x64xi32, #tpu.memory_space<vmem>> -> memref<8x64xi32, #tpu.memory_space<vmem>>
      %dma_wait3A_404 = arith.constant 0 : i32
      %dma_wait3A_405 = tpu.memref_slice %arg3[%add3A_56, %dma_wait3A_404] : memref<512x64xi32, #tpu.memory_space<hbm>> -> memref<8x64xi32, #tpu.memory_space<hbm>>
      %dma_wait3A_406 = arith.constant 8 : i32
      %dma_wait3A_407 = arith.constant 0 : i32
      %dma_wait3A_408 = tpu.memref_slice %arg5[%dma_wait3A_406, %dma_wait3A_407] : memref<16x64xi32, #tpu.memory_space<vmem>> -> memref<8x64xi32, #tpu.memory_space<vmem>>
      %dma_wait3A_409 = arith.constant 0 : i32
      %dma_wait3A_410 = tpu.memref_slice %arg3[%add3A_56, %dma_wait3A_409] : memref<512x64xi32, #tpu.memory_space<hbm>> -> memref<8x64xi32, #tpu.memory_space<hbm>>
      tpu.wait_dma2 semaphore(%run_scoped3A : memref<!tpu.dma_semaphore, #tpu.memory_space<semaphore_mem>>) src(%dma_wait3A_410 : memref<8x64xi32, #tpu.memory_space<hbm>>) dst(%dma_wait3A_408 : memref<8x64xi32, #tpu.memory_space<vmem>>)
      tpu.yield
    }) : () -> ()
    %dma_wait3A = arith.constant 0 : i32
    %dma_wait3A_57 = arith.constant 0 : i32
    %dma_wait3A_58 = tpu.memref_slice %arg5[%dma_wait3A, %dma_wait3A_57] : memref<16x64xi32, #tpu.memory_space<vmem>> -> memref<1x64xi32, #tpu.memory_space<vmem>>
    %dma_wait3A_59 = tpu.memref_squeeze %dma_wait3A_58 : memref<1x64xi32, #tpu.memory_space<vmem>> -> memref<64xi32, #tpu.memory_space<vmem>>
    %dma_wait3A_60 = arith.constant 0 : i32
    %dma_wait3A_61 = arith.constant 0 : i32
    %dma_wait3A_62 = tpu.memref_slice %arg2[%dma_wait3A_60, %dma_wait3A_61] : memref<100000x256xf32, #tpu.memory_space<hbm>> -> memref<100000x256xf32, #tpu.memory_space<hbm>>
    tpu.wait_indirect_dma semaphore(%arg13 : memref<!tpu.dma_semaphore, #tpu.memory_space<semaphore_mem>>) src(%dma_wait3A_62 : memref<100000x256xf32, #tpu.memory_space<hbm>>) dst(%arg6 : memref<64x256xf32, #tpu.memory_space<vmem>>)
    %add3A_63 = arith.constant 0 : i32
    %add3A_64 = arith.addi %mul3A_2, %add3A_63 : i32
    %dma_start3A_65 = arith.constant 0 : i32
    %dma_start3A_66 = tpu.memref_slice %arg4[%add3A_64, %dma_start3A_65] : memref<32768x256xf32, #tpu.memory_space<hbm>> -> memref<64x256xf32, #tpu.memory_space<hbm>>
    %dma_start3A_67 = arith.constant 0 : i32
    %dma_start3A_68 = tpu.memref_slice %arg4[%add3A_64, %dma_start3A_67] : memref<32768x256xf32, #tpu.memory_space<hbm>> -> memref<64x256xf32, #tpu.memory_space<hbm>>
    tpu.enqueue_dma source(%arg6 : memref<64x256xf32, #tpu.memory_space<vmem>>) target(%dma_start3A_68 : memref<64x256xf32, #tpu.memory_space<hbm>>) target_semaphore(%arg20 : memref<!tpu.dma_semaphore, #tpu.memory_space<semaphore_mem>>)
    %dma_wait3A_69 = arith.constant 0 : i32
    %dma_wait3A_70 = tpu.memref_slice %arg4[%add3A_64, %dma_wait3A_69] : memref<32768x256xf32, #tpu.memory_space<hbm>> -> memref<64x256xf32, #tpu.memory_space<hbm>>
    %dma_wait3A_71 = arith.constant 0 : i32
    %dma_wait3A_72 = tpu.memref_slice %arg4[%add3A_64, %dma_wait3A_71] : memref<32768x256xf32, #tpu.memory_space<hbm>> -> memref<64x256xf32, #tpu.memory_space<hbm>>
    tpu.wait_dma2 semaphore(%arg20 : memref<!tpu.dma_semaphore, #tpu.memory_space<semaphore_mem>>) src(%arg6 : memref<64x256xf32, #tpu.memory_space<vmem>>) dst(%dma_wait3A_72 : memref<64x256xf32, #tpu.memory_space<hbm>>)
    %dma_start3A_73 = arith.constant 7 : i32
    %dma_start3A_74 = arith.constant 0 : i32
    %dma_start3A_75 = tpu.memref_slice %arg5[%dma_start3A_73, %dma_start3A_74] : memref<16x64xi32, #tpu.memory_space<vmem>> -> memref<1x64xi32, #tpu.memory_space<vmem>>
    %dma_start3A_76 = tpu.memref_squeeze %dma_start3A_75 : memref<1x64xi32, #tpu.memory_space<vmem>> -> memref<64xi32, #tpu.memory_space<vmem>>
    %dma_start3A_77 = arith.constant 0 : i32
    %dma_start3A_78 = arith.constant 0 : i32
    %dma_start3A_79 = tpu.memref_slice %arg2[%dma_start3A_77, %dma_start3A_78] : memref<100000x256xf32, #tpu.memory_space<hbm>> -> memref<100000x256xf32, #tpu.memory_space<hbm>>
    tpu.enqueue_indirect_dma source(%dma_start3A_79 : memref<100000x256xf32, #tpu.memory_space<hbm>>) target(%arg6 : memref<64x256xf32, #tpu.memory_space<vmem>>) offsets(%dma_start3A_76 : memref<64xi32, #tpu.memory_space<vmem>>) semaphore(%arg13 : memref<!tpu.dma_semaphore, #tpu.memory_space<semaphore_mem>>)
    %dma_wait3A_80 = arith.constant 1 : i32
    %dma_wait3A_81 = arith.constant 0 : i32
    %dma_wait3A_82 = tpu.memref_slice %arg5[%dma_wait3A_80, %dma_wait3A_81] : memref<16x64xi32, #tpu.memory_space<vmem>> -> memref<1x64xi32, #tpu.memory_space<vmem>>
    %dma_wait3A_83 = tpu.memref_squeeze %dma_wait3A_82 : memref<1x64xi32, #tpu.memory_space<vmem>> -> memref<64xi32, #tpu.memory_space<vmem>>
    %dma_wait3A_84 = arith.constant 0 : i32
    %dma_wait3A_85 = arith.constant 0 : i32
    %dma_wait3A_86 = tpu.memref_slice %arg2[%dma_wait3A_84, %dma_wait3A_85] : memref<100000x256xf32, #tpu.memory_space<hbm>> -> memref<100000x256xf32, #tpu.memory_space<hbm>>
    tpu.wait_indirect_dma semaphore(%arg14 : memref<!tpu.dma_semaphore, #tpu.memory_space<semaphore_mem>>) src(%dma_wait3A_86 : memref<100000x256xf32, #tpu.memory_space<hbm>>) dst(%arg7 : memref<64x256xf32, #tpu.memory_space<vmem>>)
    %add3A_87 = arith.constant 64 : i32
    %add3A_88 = arith.addi %mul3A_2, %add3A_87 : i32
    %dma_start3A_89 = arith.constant 0 : i32
    %dma_start3A_90 = tpu.memref_slice %arg4[%add3A_88, %dma_start3A_89] : memref<32768x256xf32, #tpu.memory_space<hbm>> -> memref<64x256xf32, #tpu.memory_space<hbm>>
    %dma_start3A_91 = arith.constant 0 : i32
    %dma_start3A_92 = tpu.memref_slice %arg4[%add3A_88, %dma_start3A_91] : memref<32768x256xf32, #tpu.memory_space<hbm>> -> memref<64x256xf32, #tpu.memory_space<hbm>>
    tpu.enqueue_dma source(%arg7 : memref<64x256xf32, #tpu.memory_space<vmem>>) target(%dma_start3A_92 : memref<64x256xf32, #tpu.memory_space<hbm>>) target_semaphore(%arg21 : memref<!tpu.dma_semaphore, #tpu.memory_space<semaphore_mem>>)
    %dma_wait3A_93 = arith.constant 0 : i32
    %dma_wait3A_94 = tpu.memref_slice %arg4[%add3A_88, %dma_wait3A_93] : memref<32768x256xf32, #tpu.memory_space<hbm>> -> memref<64x256xf32, #tpu.memory_space<hbm>>
    %dma_wait3A_95 = arith.constant 0 : i32
    %dma_wait3A_96 = tpu.memref_slice %arg4[%add3A_88, %dma_wait3A_95] : memref<32768x256xf32, #tpu.memory_space<hbm>> -> memref<64x256xf32, #tpu.memory_space<hbm>>
    tpu.wait_dma2 semaphore(%arg21 : memref<!tpu.dma_semaphore, #tpu.memory_space<semaphore_mem>>) src(%arg7 : memref<64x256xf32, #tpu.memory_space<vmem>>) dst(%dma_wait3A_96 : memref<64x256xf32, #tpu.memory_space<hbm>>)
    %dma_start3A_97 = arith.constant 8 : i32
    %dma_start3A_98 = arith.constant 0 : i32
    %dma_start3A_99 = tpu.memref_slice %arg5[%dma_start3A_97, %dma_start3A_98] : memref<16x64xi32, #tpu.memory_space<vmem>> -> memref<1x64xi32, #tpu.memory_space<vmem>>
    %dma_start3A_100 = tpu.memref_squeeze %dma_start3A_99 : memref<1x64xi32, #tpu.memory_space<vmem>> -> memref<64xi32, #tpu.memory_space<vmem>>
    %dma_start3A_101 = arith.constant 0 : i32
    %dma_start3A_102 = arith.constant 0 : i32
    %dma_start3A_103 = tpu.memref_slice %arg2[%dma_start3A_101, %dma_start3A_102] : memref<100000x256xf32, #tpu.memory_space<hbm>> -> memref<100000x256xf32, #tpu.memory_space<hbm>>
    tpu.enqueue_indirect_dma source(%dma_start3A_103 : memref<100000x256xf32, #tpu.memory_space<hbm>>) target(%arg7 : memref<64x256xf32, #tpu.memory_space<vmem>>) offsets(%dma_start3A_100 : memref<64xi32, #tpu.memory_space<vmem>>) semaphore(%arg14 : memref<!tpu.dma_semaphore, #tpu.memory_space<semaphore_mem>>)
    %dma_wait3A_104 = arith.constant 2 : i32
    %dma_wait3A_105 = arith.constant 0 : i32
    %dma_wait3A_106 = tpu.memref_slice %arg5[%dma_wait3A_104, %dma_wait3A_105] : memref<16x64xi32, #tpu.memory_space<vmem>> -> memref<1x64xi32, #tpu.memory_space<vmem>>
    %dma_wait3A_107 = tpu.memref_squeeze %dma_wait3A_106 : memref<1x64xi32, #tpu.memory_space<vmem>> -> memref<64xi32, #tpu.memory_space<vmem>>
    %dma_wait3A_108 = arith.constant 0 : i32
    %dma_wait3A_109 = arith.constant 0 : i32
    %dma_wait3A_110 = tpu.memref_slice %arg2[%dma_wait3A_108, %dma_wait3A_109] : memref<100000x256xf32, #tpu.memory_space<hbm>> -> memref<100000x256xf32, #tpu.memory_space<hbm>>
    tpu.wait_indirect_dma semaphore(%arg15 : memref<!tpu.dma_semaphore, #tpu.memory_space<semaphore_mem>>) src(%dma_wait3A_110 : memref<100000x256xf32, #tpu.memory_space<hbm>>) dst(%arg8 : memref<64x256xf32, #tpu.memory_space<vmem>>)
    %add3A_111 = arith.constant 128 : i32
    %add3A_112 = arith.addi %mul3A_2, %add3A_111 : i32
    %dma_start3A_113 = arith.constant 0 : i32
    %dma_start3A_114 = tpu.memref_slice %arg4[%add3A_112, %dma_start3A_113] : memref<32768x256xf32, #tpu.memory_space<hbm>> -> memref<64x256xf32, #tpu.memory_space<hbm>>
    %dma_start3A_115 = arith.constant 0 : i32
    %dma_start3A_116 = tpu.memref_slice %arg4[%add3A_112, %dma_start3A_115] : memref<32768x256xf32, #tpu.memory_space<hbm>> -> memref<64x256xf32, #tpu.memory_space<hbm>>
    tpu.enqueue_dma source(%arg8 : memref<64x256xf32, #tpu.memory_space<vmem>>) target(%dma_start3A_116 : memref<64x256xf32, #tpu.memory_space<hbm>>) target_semaphore(%arg22 : memref<!tpu.dma_semaphore, #tpu.memory_space<semaphore_mem>>)
    %dma_wait3A_117 = arith.constant 0 : i32
    %dma_wait3A_118 = tpu.memref_slice %arg4[%add3A_112, %dma_wait3A_117] : memref<32768x256xf32, #tpu.memory_space<hbm>> -> memref<64x256xf32, #tpu.memory_space<hbm>>
    %dma_wait3A_119 = arith.constant 0 : i32
    %dma_wait3A_120 = tpu.memref_slice %arg4[%add3A_112, %dma_wait3A_119] : memref<32768x256xf32, #tpu.memory_space<hbm>> -> memref<64x256xf32, #tpu.memory_space<hbm>>
    tpu.wait_dma2 semaphore(%arg22 : memref<!tpu.dma_semaphore, #tpu.memory_space<semaphore_mem>>) src(%arg8 : memref<64x256xf32, #tpu.memory_space<vmem>>) dst(%dma_wait3A_120 : memref<64x256xf32, #tpu.memory_space<hbm>>)
    %dma_start3A_121 = arith.constant 9 : i32
    %dma_start3A_122 = arith.constant 0 : i32
    %dma_start3A_123 = tpu.memref_slice %arg5[%dma_start3A_121, %dma_start3A_122] : memref<16x64xi32, #tpu.memory_space<vmem>> -> memref<1x64xi32, #tpu.memory_space<vmem>>
    %dma_start3A_124 = tpu.memref_squeeze %dma_start3A_123 : memref<1x64xi32, #tpu.memory_space<vmem>> -> memref<64xi32, #tpu.memory_space<vmem>>
    %dma_start3A_125 = arith.constant 0 : i32
    %dma_start3A_126 = arith.constant 0 : i32
    %dma_start3A_127 = tpu.memref_slice %arg2[%dma_start3A_125, %dma_start3A_126] : memref<100000x256xf32, #tpu.memory_space<hbm>> -> memref<100000x256xf32, #tpu.memory_space<hbm>>
    tpu.enqueue_indirect_dma source(%dma_start3A_127 : memref<100000x256xf32, #tpu.memory_space<hbm>>) target(%arg8 : memref<64x256xf32, #tpu.memory_space<vmem>>) offsets(%dma_start3A_124 : memref<64xi32, #tpu.memory_space<vmem>>) semaphore(%arg15 : memref<!tpu.dma_semaphore, #tpu.memory_space<semaphore_mem>>)
    %dma_wait3A_128 = arith.constant 3 : i32
    %dma_wait3A_129 = arith.constant 0 : i32
    %dma_wait3A_130 = tpu.memref_slice %arg5[%dma_wait3A_128, %dma_wait3A_129] : memref<16x64xi32, #tpu.memory_space<vmem>> -> memref<1x64xi32, #tpu.memory_space<vmem>>
    %dma_wait3A_131 = tpu.memref_squeeze %dma_wait3A_130 : memref<1x64xi32, #tpu.memory_space<vmem>> -> memref<64xi32, #tpu.memory_space<vmem>>
    %dma_wait3A_132 = arith.constant 0 : i32
    %dma_wait3A_133 = arith.constant 0 : i32
    %dma_wait3A_134 = tpu.memref_slice %arg2[%dma_wait3A_132, %dma_wait3A_133] : memref<100000x256xf32, #tpu.memory_space<hbm>> -> memref<100000x256xf32, #tpu.memory_space<hbm>>
    tpu.wait_indirect_dma semaphore(%arg16 : memref<!tpu.dma_semaphore, #tpu.memory_space<semaphore_mem>>) src(%dma_wait3A_134 : memref<100000x256xf32, #tpu.memory_space<hbm>>) dst(%arg9 : memref<64x256xf32, #tpu.memory_space<vmem>>)
    %add3A_135 = arith.constant 192 : i32
    %add3A_136 = arith.addi %mul3A_2, %add3A_135 : i32
    %dma_start3A_137 = arith.constant 0 : i32
    %dma_start3A_138 = tpu.memref_slice %arg4[%add3A_136, %dma_start3A_137] : memref<32768x256xf32, #tpu.memory_space<hbm>> -> memref<64x256xf32, #tpu.memory_space<hbm>>
    %dma_start3A_139 = arith.constant 0 : i32
    %dma_start3A_140 = tpu.memref_slice %arg4[%add3A_136, %dma_start3A_139] : memref<32768x256xf32, #tpu.memory_space<hbm>> -> memref<64x256xf32, #tpu.memory_space<hbm>>
    tpu.enqueue_dma source(%arg9 : memref<64x256xf32, #tpu.memory_space<vmem>>) target(%dma_start3A_140 : memref<64x256xf32, #tpu.memory_space<hbm>>) target_semaphore(%arg23 : memref<!tpu.dma_semaphore, #tpu.memory_space<semaphore_mem>>)
    %dma_wait3A_141 = arith.constant 0 : i32
    %dma_wait3A_142 = tpu.memref_slice %arg4[%add3A_136, %dma_wait3A_141] : memref<32768x256xf32, #tpu.memory_space<hbm>> -> memref<64x256xf32, #tpu.memory_space<hbm>>
    %dma_wait3A_143 = arith.constant 0 : i32
    %dma_wait3A_144 = tpu.memref_slice %arg4[%add3A_136, %dma_wait3A_143] : memref<32768x256xf32, #tpu.memory_space<hbm>> -> memref<64x256xf32, #tpu.memory_space<hbm>>
    tpu.wait_dma2 semaphore(%arg23 : memref<!tpu.dma_semaphore, #tpu.memory_space<semaphore_mem>>) src(%arg9 : memref<64x256xf32, #tpu.memory_space<vmem>>) dst(%dma_wait3A_144 : memref<64x256xf32, #tpu.memory_space<hbm>>)
    %dma_start3A_145 = arith.constant 10 : i32
    %dma_start3A_146 = arith.constant 0 : i32
    %dma_start3A_147 = tpu.memref_slice %arg5[%dma_start3A_145, %dma_start3A_146] : memref<16x64xi32, #tpu.memory_space<vmem>> -> memref<1x64xi32, #tpu.memory_space<vmem>>
    %dma_start3A_148 = tpu.memref_squeeze %dma_start3A_147 : memref<1x64xi32, #tpu.memory_space<vmem>> -> memref<64xi32, #tpu.memory_space<vmem>>
    %dma_start3A_149 = arith.constant 0 : i32
    %dma_start3A_150 = arith.constant 0 : i32
    %dma_start3A_151 = tpu.memref_slice %arg2[%dma_start3A_149, %dma_start3A_150] : memref<100000x256xf32, #tpu.memory_space<hbm>> -> memref<100000x256xf32, #tpu.memory_space<hbm>>
    tpu.enqueue_indirect_dma source(%dma_start3A_151 : memref<100000x256xf32, #tpu.memory_space<hbm>>) target(%arg9 : memref<64x256xf32, #tpu.memory_space<vmem>>) offsets(%dma_start3A_148 : memref<64xi32, #tpu.memory_space<vmem>>) semaphore(%arg16 : memref<!tpu.dma_semaphore, #tpu.memory_space<semaphore_mem>>)
    %dma_wait3A_152 = arith.constant 4 : i32
    %dma_wait3A_153 = arith.constant 0 : i32
    %dma_wait3A_154 = tpu.memref_slice %arg5[%dma_wait3A_152, %dma_wait3A_153] : memref<16x64xi32, #tpu.memory_space<vmem>> -> memref<1x64xi32, #tpu.memory_space<vmem>>
    %dma_wait3A_155 = tpu.memref_squeeze %dma_wait3A_154 : memref<1x64xi32, #tpu.memory_space<vmem>> -> memref<64xi32, #tpu.memory_space<vmem>>
    %dma_wait3A_156 = arith.constant 0 : i32
    %dma_wait3A_157 = arith.constant 0 : i32
    %dma_wait3A_158 = tpu.memref_slice %arg2[%dma_wait3A_156, %dma_wait3A_157] : memref<100000x256xf32, #tpu.memory_space<hbm>> -> memref<100000x256xf32, #tpu.memory_space<hbm>>
    tpu.wait_indirect_dma semaphore(%arg17 : memref<!tpu.dma_semaphore, #tpu.memory_space<semaphore_mem>>) src(%dma_wait3A_158 : memref<100000x256xf32, #tpu.memory_space<hbm>>) dst(%arg10 : memref<64x256xf32, #tpu.memory_space<vmem>>)
    %add3A_159 = arith.constant 256 : i32
    %add3A_160 = arith.addi %mul3A_2, %add3A_159 : i32
    %dma_start3A_161 = arith.constant 0 : i32
    %dma_start3A_162 = tpu.memref_slice %arg4[%add3A_160, %dma_start3A_161] : memref<32768x256xf32, #tpu.memory_space<hbm>> -> memref<64x256xf32, #tpu.memory_space<hbm>>
    %dma_start3A_163 = arith.constant 0 : i32
    %dma_start3A_164 = tpu.memref_slice %arg4[%add3A_160, %dma_start3A_163] : memref<32768x256xf32, #tpu.memory_space<hbm>> -> memref<64x256xf32, #tpu.memory_space<hbm>>
    tpu.enqueue_dma source(%arg10 : memref<64x256xf32, #tpu.memory_space<vmem>>) target(%dma_start3A_164 : memref<64x256xf32, #tpu.memory_space<hbm>>) target_semaphore(%arg24 : memref<!tpu.dma_semaphore, #tpu.memory_space<semaphore_mem>>)
    %dma_wait3A_165 = arith.constant 0 : i32
    %dma_wait3A_166 = tpu.memref_slice %arg4[%add3A_160, %dma_wait3A_165] : memref<32768x256xf32, #tpu.memory_space<hbm>> -> memref<64x256xf32, #tpu.memory_space<hbm>>
    %dma_wait3A_167 = arith.constant 0 : i32
    %dma_wait3A_168 = tpu.memref_slice %arg4[%add3A_160, %dma_wait3A_167] : memref<32768x256xf32, #tpu.memory_space<hbm>> -> memref<64x256xf32, #tpu.memory_space<hbm>>
    tpu.wait_dma2 semaphore(%arg24 : memref<!tpu.dma_semaphore, #tpu.memory_space<semaphore_mem>>) src(%arg10 : memref<64x256xf32, #tpu.memory_space<vmem>>) dst(%dma_wait3A_168 : memref<64x256xf32, #tpu.memory_space<hbm>>)
    %dma_start3A_169 = arith.constant 11 : i32
    %dma_start3A_170 = arith.constant 0 : i32
    %dma_start3A_171 = tpu.memref_slice %arg5[%dma_start3A_169, %dma_start3A_170] : memref<16x64xi32, #tpu.memory_space<vmem>> -> memref<1x64xi32, #tpu.memory_space<vmem>>
    %dma_start3A_172 = tpu.memref_squeeze %dma_start3A_171 : memref<1x64xi32, #tpu.memory_space<vmem>> -> memref<64xi32, #tpu.memory_space<vmem>>
    %dma_start3A_173 = arith.constant 0 : i32
    %dma_start3A_174 = arith.constant 0 : i32
    %dma_start3A_175 = tpu.memref_slice %arg2[%dma_start3A_173, %dma_start3A_174] : memref<100000x256xf32, #tpu.memory_space<hbm>> -> memref<100000x256xf32, #tpu.memory_space<hbm>>
    tpu.enqueue_indirect_dma source(%dma_start3A_175 : memref<100000x256xf32, #tpu.memory_space<hbm>>) target(%arg10 : memref<64x256xf32, #tpu.memory_space<vmem>>) offsets(%dma_start3A_172 : memref<64xi32, #tpu.memory_space<vmem>>) semaphore(%arg17 : memref<!tpu.dma_semaphore, #tpu.memory_space<semaphore_mem>>)
    %dma_wait3A_176 = arith.constant 5 : i32
    %dma_wait3A_177 = arith.constant 0 : i32
    %dma_wait3A_178 = tpu.memref_slice %arg5[%dma_wait3A_176, %dma_wait3A_177] : memref<16x64xi32, #tpu.memory_space<vmem>> -> memref<1x64xi32, #tpu.memory_space<vmem>>
    %dma_wait3A_179 = tpu.memref_squeeze %dma_wait3A_178 : memref<1x64xi32, #tpu.memory_space<vmem>> -> memref<64xi32, #tpu.memory_space<vmem>>
    %dma_wait3A_180 = arith.constant 0 : i32
    %dma_wait3A_181 = arith.constant 0 : i32
    %dma_wait3A_182 = tpu.memref_slice %arg2[%dma_wait3A_180, %dma_wait3A_181] : memref<100000x256xf32, #tpu.memory_space<hbm>> -> memref<100000x256xf32, #tpu.memory_space<hbm>>
    tpu.wait_indirect_dma semaphore(%arg18 : memref<!tpu.dma_semaphore, #tpu.memory_space<semaphore_mem>>) src(%dma_wait3A_182 : memref<100000x256xf32, #tpu.memory_space<hbm>>) dst(%arg11 : memref<64x256xf32, #tpu.memory_space<vmem>>)
    %add3A_183 = arith.constant 320 : i32
    %add3A_184 = arith.addi %mul3A_2, %add3A_183 : i32
    %dma_start3A_185 = arith.constant 0 : i32
    %dma_start3A_186 = tpu.memref_slice %arg4[%add3A_184, %dma_start3A_185] : memref<32768x256xf32, #tpu.memory_space<hbm>> -> memref<64x256xf32, #tpu.memory_space<hbm>>
    %dma_start3A_187 = arith.constant 0 : i32
    %dma_start3A_188 = tpu.memref_slice %arg4[%add3A_184, %dma_start3A_187] : memref<32768x256xf32, #tpu.memory_space<hbm>> -> memref<64x256xf32, #tpu.memory_space<hbm>>
    tpu.enqueue_dma source(%arg11 : memref<64x256xf32, #tpu.memory_space<vmem>>) target(%dma_start3A_188 : memref<64x256xf32, #tpu.memory_space<hbm>>) target_semaphore(%arg25 : memref<!tpu.dma_semaphore, #tpu.memory_space<semaphore_mem>>)
    %dma_wait3A_189 = arith.constant 0 : i32
    %dma_wait3A_190 = tpu.memref_slice %arg4[%add3A_184, %dma_wait3A_189] : memref<32768x256xf32, #tpu.memory_space<hbm>> -> memref<64x256xf32, #tpu.memory_space<hbm>>
    %dma_wait3A_191 = arith.constant 0 : i32
    %dma_wait3A_192 = tpu.memref_slice %arg4[%add3A_184, %dma_wait3A_191] : memref<32768x256xf32, #tpu.memory_space<hbm>> -> memref<64x256xf32, #tpu.memory_space<hbm>>
    tpu.wait_dma2 semaphore(%arg25 : memref<!tpu.dma_semaphore, #tpu.memory_space<semaphore_mem>>) src(%arg11 : memref<64x256xf32, #tpu.memory_space<vmem>>) dst(%dma_wait3A_192 : memref<64x256xf32, #tpu.memory_space<hbm>>)
    %dma_start3A_193 = arith.constant 12 : i32
    %dma_start3A_194 = arith.constant 0 : i32
    %dma_start3A_195 = tpu.memref_slice %arg5[%dma_start3A_193, %dma_start3A_194] : memref<16x64xi32, #tpu.memory_space<vmem>> -> memref<1x64xi32, #tpu.memory_space<vmem>>
    %dma_start3A_196 = tpu.memref_squeeze %dma_start3A_195 : memref<1x64xi32, #tpu.memory_space<vmem>> -> memref<64xi32, #tpu.memory_space<vmem>>
    %dma_start3A_197 = arith.constant 0 : i32
    %dma_start3A_198 = arith.constant 0 : i32
    %dma_start3A_199 = tpu.memref_slice %arg2[%dma_start3A_197, %dma_start3A_198] : memref<100000x256xf32, #tpu.memory_space<hbm>> -> memref<100000x256xf32, #tpu.memory_space<hbm>>
    tpu.enqueue_indirect_dma source(%dma_start3A_199 : memref<100000x256xf32, #tpu.memory_space<hbm>>) target(%arg11 : memref<64x256xf32, #tpu.memory_space<vmem>>) offsets(%dma_start3A_196 : memref<64xi32, #tpu.memory_space<vmem>>) semaphore(%arg18 : memref<!tpu.dma_semaphore, #tpu.memory_space<semaphore_mem>>)
    %dma_wait3A_200 = arith.constant 6 : i32
    %dma_wait3A_201 = arith.constant 0 : i32
    %dma_wait3A_202 = tpu.memref_slice %arg5[%dma_wait3A_200, %dma_wait3A_201] : memref<16x64xi32, #tpu.memory_space<vmem>> -> memref<1x64xi32, #tpu.memory_space<vmem>>
    %dma_wait3A_203 = tpu.memref_squeeze %dma_wait3A_202 : memref<1x64xi32, #tpu.memory_space<vmem>> -> memref<64xi32, #tpu.memory_space<vmem>>
    %dma_wait3A_204 = arith.constant 0 : i32
    %dma_wait3A_205 = arith.constant 0 : i32
    %dma_wait3A_206 = tpu.memref_slice %arg2[%dma_wait3A_204, %dma_wait3A_205] : memref<100000x256xf32, #tpu.memory_space<hbm>> -> memref<100000x256xf32, #tpu.memory_space<hbm>>
    tpu.wait_indirect_dma semaphore(%arg19 : memref<!tpu.dma_semaphore, #tpu.memory_space<semaphore_mem>>) src(%dma_wait3A_206 : memref<100000x256xf32, #tpu.memory_space<hbm>>) dst(%arg12 : memref<64x256xf32, #tpu.memory_space<vmem>>)
    %add3A_207 = arith.constant 384 : i32
    %add3A_208 = arith.addi %mul3A_2, %add3A_207 : i32
    %dma_start3A_209 = arith.constant 0 : i32
    %dma_start3A_210 = tpu.memref_slice %arg4[%add3A_208, %dma_start3A_209] : memref<32768x256xf32, #tpu.memory_space<hbm>> -> memref<64x256xf32, #tpu.memory_space<hbm>>
    %dma_start3A_211 = arith.constant 0 : i32
    %dma_start3A_212 = tpu.memref_slice %arg4[%add3A_208, %dma_start3A_211] : memref<32768x256xf32, #tpu.memory_space<hbm>> -> memref<64x256xf32, #tpu.memory_space<hbm>>
    tpu.enqueue_dma source(%arg12 : memref<64x256xf32, #tpu.memory_space<vmem>>) target(%dma_start3A_212 : memref<64x256xf32, #tpu.memory_space<hbm>>) target_semaphore(%arg26 : memref<!tpu.dma_semaphore, #tpu.memory_space<semaphore_mem>>)
    %dma_wait3A_213 = arith.constant 0 : i32
    %dma_wait3A_214 = tpu.memref_slice %arg4[%add3A_208, %dma_wait3A_213] : memref<32768x256xf32, #tpu.memory_space<hbm>> -> memref<64x256xf32, #tpu.memory_space<hbm>>
    %dma_wait3A_215 = arith.constant 0 : i32
    %dma_wait3A_216 = tpu.memref_slice %arg4[%add3A_208, %dma_wait3A_215] : memref<32768x256xf32, #tpu.memory_space<hbm>> -> memref<64x256xf32, #tpu.memory_space<hbm>>
    tpu.wait_dma2 semaphore(%arg26 : memref<!tpu.dma_semaphore, #tpu.memory_space<semaphore_mem>>) src(%arg12 : memref<64x256xf32, #tpu.memory_space<vmem>>) dst(%dma_wait3A_216 : memref<64x256xf32, #tpu.memory_space<hbm>>)
    %dma_start3A_217 = arith.constant 13 : i32
    %dma_start3A_218 = arith.constant 0 : i32
    %dma_start3A_219 = tpu.memref_slice %arg5[%dma_start3A_217, %dma_start3A_218] : memref<16x64xi32, #tpu.memory_space<vmem>> -> memref<1x64xi32, #tpu.memory_space<vmem>>
    %dma_start3A_220 = tpu.memref_squeeze %dma_start3A_219 : memref<1x64xi32, #tpu.memory_space<vmem>> -> memref<64xi32, #tpu.memory_space<vmem>>
    %dma_start3A_221 = arith.constant 0 : i32
    %dma_start3A_222 = arith.constant 0 : i32
    %dma_start3A_223 = tpu.memref_slice %arg2[%dma_start3A_221, %dma_start3A_222] : memref<100000x256xf32, #tpu.memory_space<hbm>> -> memref<100000x256xf32, #tpu.memory_space<hbm>>
    tpu.enqueue_indirect_dma source(%dma_start3A_223 : memref<100000x256xf32, #tpu.memory_space<hbm>>) target(%arg12 : memref<64x256xf32, #tpu.memory_space<vmem>>) offsets(%dma_start3A_220 : memref<64xi32, #tpu.memory_space<vmem>>) semaphore(%arg19 : memref<!tpu.dma_semaphore, #tpu.memory_space<semaphore_mem>>)
    %dma_wait3A_224 = arith.constant 7 : i32
    %dma_wait3A_225 = arith.constant 0 : i32
    %dma_wait3A_226 = tpu.memref_slice %arg5[%dma_wait3A_224, %dma_wait3A_225] : memref<16x64xi32, #tpu.memory_space<vmem>> -> memref<1x64xi32, #tpu.memory_space<vmem>>
    %dma_wait3A_227 = tpu.memref_squeeze %dma_wait3A_226 : memref<1x64xi32, #tpu.memory_space<vmem>> -> memref<64xi32, #tpu.memory_space<vmem>>
    %dma_wait3A_228 = arith.constant 0 : i32
    %dma_wait3A_229 = arith.constant 0 : i32
    %dma_wait3A_230 = tpu.memref_slice %arg2[%dma_wait3A_228, %dma_wait3A_229] : memref<100000x256xf32, #tpu.memory_space<hbm>> -> memref<100000x256xf32, #tpu.memory_space<hbm>>
    tpu.wait_indirect_dma semaphore(%arg13 : memref<!tpu.dma_semaphore, #tpu.memory_space<semaphore_mem>>) src(%dma_wait3A_230 : memref<100000x256xf32, #tpu.memory_space<hbm>>) dst(%arg6 : memref<64x256xf32, #tpu.memory_space<vmem>>)
    %add3A_231 = arith.constant 448 : i32
    %add3A_232 = arith.addi %mul3A_2, %add3A_231 : i32
    %dma_start3A_233 = arith.constant 0 : i32
    %dma_start3A_234 = tpu.memref_slice %arg4[%add3A_232, %dma_start3A_233] : memref<32768x256xf32, #tpu.memory_space<hbm>> -> memref<64x256xf32, #tpu.memory_space<hbm>>
    %dma_start3A_235 = arith.constant 0 : i32
    %dma_start3A_236 = tpu.memref_slice %arg4[%add3A_232, %dma_start3A_235] : memref<32768x256xf32, #tpu.memory_space<hbm>> -> memref<64x256xf32, #tpu.memory_space<hbm>>
    tpu.enqueue_dma source(%arg6 : memref<64x256xf32, #tpu.memory_space<vmem>>) target(%dma_start3A_236 : memref<64x256xf32, #tpu.memory_space<hbm>>) target_semaphore(%arg20 : memref<!tpu.dma_semaphore, #tpu.memory_space<semaphore_mem>>)
    %dma_wait3A_237 = arith.constant 0 : i32
    %dma_wait3A_238 = tpu.memref_slice %arg4[%add3A_232, %dma_wait3A_237] : memref<32768x256xf32, #tpu.memory_space<hbm>> -> memref<64x256xf32, #tpu.memory_space<hbm>>
    %dma_wait3A_239 = arith.constant 0 : i32
    %dma_wait3A_240 = tpu.memref_slice %arg4[%add3A_232, %dma_wait3A_239] : memref<32768x256xf32, #tpu.memory_space<hbm>> -> memref<64x256xf32, #tpu.memory_space<hbm>>
    tpu.wait_dma2 semaphore(%arg20 : memref<!tpu.dma_semaphore, #tpu.memory_space<semaphore_mem>>) src(%arg6 : memref<64x256xf32, #tpu.memory_space<vmem>>) dst(%dma_wait3A_240 : memref<64x256xf32, #tpu.memory_space<hbm>>)
    %dma_start3A_241 = arith.constant 14 : i32
    %dma_start3A_242 = arith.constant 0 : i32
    %dma_start3A_243 = tpu.memref_slice %arg5[%dma_start3A_241, %dma_start3A_242] : memref<16x64xi32, #tpu.memory_space<vmem>> -> memref<1x64xi32, #tpu.memory_space<vmem>>
    %dma_start3A_244 = tpu.memref_squeeze %dma_start3A_243 : memref<1x64xi32, #tpu.memory_space<vmem>> -> memref<64xi32, #tpu.memory_space<vmem>>
    %dma_start3A_245 = arith.constant 0 : i32
    %dma_start3A_246 = arith.constant 0 : i32
    %dma_start3A_247 = tpu.memref_slice %arg2[%dma_start3A_245, %dma_start3A_246] : memref<100000x256xf32, #tpu.memory_space<hbm>> -> memref<100000x256xf32, #tpu.memory_space<hbm>>
    tpu.enqueue_indirect_dma source(%dma_start3A_247 : memref<100000x256xf32, #tpu.memory_space<hbm>>) target(%arg6 : memref<64x256xf32, #tpu.memory_space<vmem>>) offsets(%dma_start3A_244 : memref<64xi32, #tpu.memory_space<vmem>>) semaphore(%arg13 : memref<!tpu.dma_semaphore, #tpu.memory_space<semaphore_mem>>)
    %dma_wait3A_248 = arith.constant 8 : i32
    %dma_wait3A_249 = arith.constant 0 : i32
    %dma_wait3A_250 = tpu.memref_slice %arg5[%dma_wait3A_248, %dma_wait3A_249] : memref<16x64xi32, #tpu.memory_space<vmem>> -> memref<1x64xi32, #tpu.memory_space<vmem>>
    %dma_wait3A_251 = tpu.memref_squeeze %dma_wait3A_250 : memref<1x64xi32, #tpu.memory_space<vmem>> -> memref<64xi32, #tpu.memory_space<vmem>>
    %dma_wait3A_252 = arith.constant 0 : i32
    %dma_wait3A_253 = arith.constant 0 : i32
    %dma_wait3A_254 = tpu.memref_slice %arg2[%dma_wait3A_252, %dma_wait3A_253] : memref<100000x256xf32, #tpu.memory_space<hbm>> -> memref<100000x256xf32, #tpu.memory_space<hbm>>
    tpu.wait_indirect_dma semaphore(%arg14 : memref<!tpu.dma_semaphore, #tpu.memory_space<semaphore_mem>>) src(%dma_wait3A_254 : memref<100000x256xf32, #tpu.memory_space<hbm>>) dst(%arg7 : memref<64x256xf32, #tpu.memory_space<vmem>>)
    %add3A_255 = arith.constant 512 : i32
    %add3A_256 = arith.addi %mul3A_2, %add3A_255 : i32
    %dma_start3A_257 = arith.constant 0 : i32
    %dma_start3A_258 = tpu.memref_slice %arg4[%add3A_256, %dma_start3A_257] : memref<32768x256xf32, #tpu.memory_space<hbm>> -> memref<64x256xf32, #tpu.memory_space<hbm>>
    %dma_start3A_259 = arith.constant 0 : i32
    %dma_start3A_260 = tpu.memref_slice %arg4[%add3A_256, %dma_start3A_259] : memref<32768x256xf32, #tpu.memory_space<hbm>> -> memref<64x256xf32, #tpu.memory_space<hbm>>
    tpu.enqueue_dma source(%arg7 : memref<64x256xf32, #tpu.memory_space<vmem>>) target(%dma_start3A_260 : memref<64x256xf32, #tpu.memory_space<hbm>>) target_semaphore(%arg21 : memref<!tpu.dma_semaphore, #tpu.memory_space<semaphore_mem>>)
    %dma_wait3A_261 = arith.constant 0 : i32
    %dma_wait3A_262 = tpu.memref_slice %arg4[%add3A_256, %dma_wait3A_261] : memref<32768x256xf32, #tpu.memory_space<hbm>> -> memref<64x256xf32, #tpu.memory_space<hbm>>
    %dma_wait3A_263 = arith.constant 0 : i32
    %dma_wait3A_264 = tpu.memref_slice %arg4[%add3A_256, %dma_wait3A_263] : memref<32768x256xf32, #tpu.memory_space<hbm>> -> memref<64x256xf32, #tpu.memory_space<hbm>>
    tpu.wait_dma2 semaphore(%arg21 : memref<!tpu.dma_semaphore, #tpu.memory_space<semaphore_mem>>) src(%arg7 : memref<64x256xf32, #tpu.memory_space<vmem>>) dst(%dma_wait3A_264 : memref<64x256xf32, #tpu.memory_space<hbm>>)
    %dma_start3A_265 = arith.constant 15 : i32
    %dma_start3A_266 = arith.constant 0 : i32
    %dma_start3A_267 = tpu.memref_slice %arg5[%dma_start3A_265, %dma_start3A_266] : memref<16x64xi32, #tpu.memory_space<vmem>> -> memref<1x64xi32, #tpu.memory_space<vmem>>
    %dma_start3A_268 = tpu.memref_squeeze %dma_start3A_267 : memref<1x64xi32, #tpu.memory_space<vmem>> -> memref<64xi32, #tpu.memory_space<vmem>>
    %dma_start3A_269 = arith.constant 0 : i32
    %dma_start3A_270 = arith.constant 0 : i32
    %dma_start3A_271 = tpu.memref_slice %arg2[%dma_start3A_269, %dma_start3A_270] : memref<100000x256xf32, #tpu.memory_space<hbm>> -> memref<100000x256xf32, #tpu.memory_space<hbm>>
    tpu.enqueue_indirect_dma source(%dma_start3A_271 : memref<100000x256xf32, #tpu.memory_space<hbm>>) target(%arg7 : memref<64x256xf32, #tpu.memory_space<vmem>>) offsets(%dma_start3A_268 : memref<64xi32, #tpu.memory_space<vmem>>) semaphore(%arg14 : memref<!tpu.dma_semaphore, #tpu.memory_space<semaphore_mem>>)
    %dma_wait3A_272 = arith.constant 9 : i32
    %dma_wait3A_273 = arith.constant 0 : i32
    %dma_wait3A_274 = tpu.memref_slice %arg5[%dma_wait3A_272, %dma_wait3A_273] : memref<16x64xi32, #tpu.memory_space<vmem>> -> memref<1x64xi32, #tpu.memory_space<vmem>>
    %dma_wait3A_275 = tpu.memref_squeeze %dma_wait3A_274 : memref<1x64xi32, #tpu.memory_space<vmem>> -> memref<64xi32, #tpu.memory_space<vmem>>
    %dma_wait3A_276 = arith.constant 0 : i32
    %dma_wait3A_277 = arith.constant 0 : i32
    %dma_wait3A_278 = tpu.memref_slice %arg2[%dma_wait3A_276, %dma_wait3A_277] : memref<100000x256xf32, #tpu.memory_space<hbm>> -> memref<100000x256xf32, #tpu.memory_space<hbm>>
    tpu.wait_indirect_dma semaphore(%arg15 : memref<!tpu.dma_semaphore, #tpu.memory_space<semaphore_mem>>) src(%dma_wait3A_278 : memref<100000x256xf32, #tpu.memory_space<hbm>>) dst(%arg8 : memref<64x256xf32, #tpu.memory_space<vmem>>)
    %add3A_279 = arith.constant 576 : i32
    %add3A_280 = arith.addi %mul3A_2, %add3A_279 : i32
    %dma_start3A_281 = arith.constant 0 : i32
    %dma_start3A_282 = tpu.memref_slice %arg4[%add3A_280, %dma_start3A_281] : memref<32768x256xf32, #tpu.memory_space<hbm>> -> memref<64x256xf32, #tpu.memory_space<hbm>>
    %dma_start3A_283 = arith.constant 0 : i32
    %dma_start3A_284 = tpu.memref_slice %arg4[%add3A_280, %dma_start3A_283] : memref<32768x256xf32, #tpu.memory_space<hbm>> -> memref<64x256xf32, #tpu.memory_space<hbm>>
    tpu.enqueue_dma source(%arg8 : memref<64x256xf32, #tpu.memory_space<vmem>>) target(%dma_start3A_284 : memref<64x256xf32, #tpu.memory_space<hbm>>) target_semaphore(%arg22 : memref<!tpu.dma_semaphore, #tpu.memory_space<semaphore_mem>>)
    %dma_wait3A_285 = arith.constant 10 : i32
    %dma_wait3A_286 = arith.constant 0 : i32
    %dma_wait3A_287 = tpu.memref_slice %arg5[%dma_wait3A_285, %dma_wait3A_286] : memref<16x64xi32, #tpu.memory_space<vmem>> -> memref<1x64xi32, #tpu.memory_space<vmem>>
    %dma_wait3A_288 = tpu.memref_squeeze %dma_wait3A_287 : memref<1x64xi32, #tpu.memory_space<vmem>> -> memref<64xi32, #tpu.memory_space<vmem>>
    %dma_wait3A_289 = arith.constant 0 : i32
    %dma_wait3A_290 = arith.constant 0 : i32
    %dma_wait3A_291 = tpu.memref_slice %arg2[%dma_wait3A_289, %dma_wait3A_290] : memref<100000x256xf32, #tpu.memory_space<hbm>> -> memref<100000x256xf32, #tpu.memory_space<hbm>>
    tpu.wait_indirect_dma semaphore(%arg16 : memref<!tpu.dma_semaphore, #tpu.memory_space<semaphore_mem>>) src(%dma_wait3A_291 : memref<100000x256xf32, #tpu.memory_space<hbm>>) dst(%arg9 : memref<64x256xf32, #tpu.memory_space<vmem>>)
    %add3A_292 = arith.constant 640 : i32
    %add3A_293 = arith.addi %mul3A_2, %add3A_292 : i32
    %dma_start3A_294 = arith.constant 0 : i32
    %dma_start3A_295 = tpu.memref_slice %arg4[%add3A_293, %dma_start3A_294] : memref<32768x256xf32, #tpu.memory_space<hbm>> -> memref<64x256xf32, #tpu.memory_space<hbm>>
    %dma_start3A_296 = arith.constant 0 : i32
    %dma_start3A_297 = tpu.memref_slice %arg4[%add3A_293, %dma_start3A_296] : memref<32768x256xf32, #tpu.memory_space<hbm>> -> memref<64x256xf32, #tpu.memory_space<hbm>>
    tpu.enqueue_dma source(%arg9 : memref<64x256xf32, #tpu.memory_space<vmem>>) target(%dma_start3A_297 : memref<64x256xf32, #tpu.memory_space<hbm>>) target_semaphore(%arg23 : memref<!tpu.dma_semaphore, #tpu.memory_space<semaphore_mem>>)
    %dma_wait3A_298 = arith.constant 11 : i32
    %dma_wait3A_299 = arith.constant 0 : i32
    %dma_wait3A_300 = tpu.memref_slice %arg5[%dma_wait3A_298, %dma_wait3A_299] : memref<16x64xi32, #tpu.memory_space<vmem>> -> memref<1x64xi32, #tpu.memory_space<vmem>>
    %dma_wait3A_301 = tpu.memref_squeeze %dma_wait3A_300 : memref<1x64xi32, #tpu.memory_space<vmem>> -> memref<64xi32, #tpu.memory_space<vmem>>
    %dma_wait3A_302 = arith.constant 0 : i32
    %dma_wait3A_303 = arith.constant 0 : i32
    %dma_wait3A_304 = tpu.memref_slice %arg2[%dma_wait3A_302, %dma_wait3A_303] : memref<100000x256xf32, #tpu.memory_space<hbm>> -> memref<100000x256xf32, #tpu.memory_space<hbm>>
    tpu.wait_indirect_dma semaphore(%arg17 : memref<!tpu.dma_semaphore, #tpu.memory_space<semaphore_mem>>) src(%dma_wait3A_304 : memref<100000x256xf32, #tpu.memory_space<hbm>>) dst(%arg10 : memref<64x256xf32, #tpu.memory_space<vmem>>)
    %add3A_305 = arith.constant 704 : i32
    %add3A_306 = arith.addi %mul3A_2, %add3A_305 : i32
    %dma_start3A_307 = arith.constant 0 : i32
    %dma_start3A_308 = tpu.memref_slice %arg4[%add3A_306, %dma_start3A_307] : memref<32768x256xf32, #tpu.memory_space<hbm>> -> memref<64x256xf32, #tpu.memory_space<hbm>>
    %dma_start3A_309 = arith.constant 0 : i32
    %dma_start3A_310 = tpu.memref_slice %arg4[%add3A_306, %dma_start3A_309] : memref<32768x256xf32, #tpu.memory_space<hbm>> -> memref<64x256xf32, #tpu.memory_space<hbm>>
    tpu.enqueue_dma source(%arg10 : memref<64x256xf32, #tpu.memory_space<vmem>>) target(%dma_start3A_310 : memref<64x256xf32, #tpu.memory_space<hbm>>) target_semaphore(%arg24 : memref<!tpu.dma_semaphore, #tpu.memory_space<semaphore_mem>>)
    %dma_wait3A_311 = arith.constant 12 : i32
    %dma_wait3A_312 = arith.constant 0 : i32
    %dma_wait3A_313 = tpu.memref_slice %arg5[%dma_wait3A_311, %dma_wait3A_312] : memref<16x64xi32, #tpu.memory_space<vmem>> -> memref<1x64xi32, #tpu.memory_space<vmem>>
    %dma_wait3A_314 = tpu.memref_squeeze %dma_wait3A_313 : memref<1x64xi32, #tpu.memory_space<vmem>> -> memref<64xi32, #tpu.memory_space<vmem>>
    %dma_wait3A_315 = arith.constant 0 : i32
    %dma_wait3A_316 = arith.constant 0 : i32
    %dma_wait3A_317 = tpu.memref_slice %arg2[%dma_wait3A_315, %dma_wait3A_316] : memref<100000x256xf32, #tpu.memory_space<hbm>> -> memref<100000x256xf32, #tpu.memory_space<hbm>>
    tpu.wait_indirect_dma semaphore(%arg18 : memref<!tpu.dma_semaphore, #tpu.memory_space<semaphore_mem>>) src(%dma_wait3A_317 : memref<100000x256xf32, #tpu.memory_space<hbm>>) dst(%arg11 : memref<64x256xf32, #tpu.memory_space<vmem>>)
    %add3A_318 = arith.constant 768 : i32
    %add3A_319 = arith.addi %mul3A_2, %add3A_318 : i32
    %dma_start3A_320 = arith.constant 0 : i32
    %dma_start3A_321 = tpu.memref_slice %arg4[%add3A_319, %dma_start3A_320] : memref<32768x256xf32, #tpu.memory_space<hbm>> -> memref<64x256xf32, #tpu.memory_space<hbm>>
    %dma_start3A_322 = arith.constant 0 : i32
    %dma_start3A_323 = tpu.memref_slice %arg4[%add3A_319, %dma_start3A_322] : memref<32768x256xf32, #tpu.memory_space<hbm>> -> memref<64x256xf32, #tpu.memory_space<hbm>>
    tpu.enqueue_dma source(%arg11 : memref<64x256xf32, #tpu.memory_space<vmem>>) target(%dma_start3A_323 : memref<64x256xf32, #tpu.memory_space<hbm>>) target_semaphore(%arg25 : memref<!tpu.dma_semaphore, #tpu.memory_space<semaphore_mem>>)
    %dma_wait3A_324 = arith.constant 13 : i32
    %dma_wait3A_325 = arith.constant 0 : i32
    %dma_wait3A_326 = tpu.memref_slice %arg5[%dma_wait3A_324, %dma_wait3A_325] : memref<16x64xi32, #tpu.memory_space<vmem>> -> memref<1x64xi32, #tpu.memory_space<vmem>>
    %dma_wait3A_327 = tpu.memref_squeeze %dma_wait3A_326 : memref<1x64xi32, #tpu.memory_space<vmem>> -> memref<64xi32, #tpu.memory_space<vmem>>
    %dma_wait3A_328 = arith.constant 0 : i32
    %dma_wait3A_329 = arith.constant 0 : i32
    %dma_wait3A_330 = tpu.memref_slice %arg2[%dma_wait3A_328, %dma_wait3A_329] : memref<100000x256xf32, #tpu.memory_space<hbm>> -> memref<100000x256xf32, #tpu.memory_space<hbm>>
    tpu.wait_indirect_dma semaphore(%arg19 : memref<!tpu.dma_semaphore, #tpu.memory_space<semaphore_mem>>) src(%dma_wait3A_330 : memref<100000x256xf32, #tpu.memory_space<hbm>>) dst(%arg12 : memref<64x256xf32, #tpu.memory_space<vmem>>)
    %add3A_331 = arith.constant 832 : i32
    %add3A_332 = arith.addi %mul3A_2, %add3A_331 : i32
    %dma_start3A_333 = arith.constant 0 : i32
    %dma_start3A_334 = tpu.memref_slice %arg4[%add3A_332, %dma_start3A_333] : memref<32768x256xf32, #tpu.memory_space<hbm>> -> memref<64x256xf32, #tpu.memory_space<hbm>>
    %dma_start3A_335 = arith.constant 0 : i32
    %dma_start3A_336 = tpu.memref_slice %arg4[%add3A_332, %dma_start3A_335] : memref<32768x256xf32, #tpu.memory_space<hbm>> -> memref<64x256xf32, #tpu.memory_space<hbm>>
    tpu.enqueue_dma source(%arg12 : memref<64x256xf32, #tpu.memory_space<vmem>>) target(%dma_start3A_336 : memref<64x256xf32, #tpu.memory_space<hbm>>) target_semaphore(%arg26 : memref<!tpu.dma_semaphore, #tpu.memory_space<semaphore_mem>>)
    %dma_wait3A_337 = arith.constant 14 : i32
    %dma_wait3A_338 = arith.constant 0 : i32
    %dma_wait3A_339 = tpu.memref_slice %arg5[%dma_wait3A_337, %dma_wait3A_338] : memref<16x64xi32, #tpu.memory_space<vmem>> -> memref<1x64xi32, #tpu.memory_space<vmem>>
    %dma_wait3A_340 = tpu.memref_squeeze %dma_wait3A_339 : memref<1x64xi32, #tpu.memory_space<vmem>> -> memref<64xi32, #tpu.memory_space<vmem>>
    %dma_wait3A_341 = arith.constant 0 : i32
    %dma_wait3A_342 = arith.constant 0 : i32
    %dma_wait3A_343 = tpu.memref_slice %arg2[%dma_wait3A_341, %dma_wait3A_342] : memref<100000x256xf32, #tpu.memory_space<hbm>> -> memref<100000x256xf32, #tpu.memory_space<hbm>>
    tpu.wait_indirect_dma semaphore(%arg13 : memref<!tpu.dma_semaphore, #tpu.memory_space<semaphore_mem>>) src(%dma_wait3A_343 : memref<100000x256xf32, #tpu.memory_space<hbm>>) dst(%arg6 : memref<64x256xf32, #tpu.memory_space<vmem>>)
    %add3A_344 = arith.constant 896 : i32
    %add3A_345 = arith.addi %mul3A_2, %add3A_344 : i32
    %dma_start3A_346 = arith.constant 0 : i32
    %dma_start3A_347 = tpu.memref_slice %arg4[%add3A_345, %dma_start3A_346] : memref<32768x256xf32, #tpu.memory_space<hbm>> -> memref<64x256xf32, #tpu.memory_space<hbm>>
    %dma_start3A_348 = arith.constant 0 : i32
    %dma_start3A_349 = tpu.memref_slice %arg4[%add3A_345, %dma_start3A_348] : memref<32768x256xf32, #tpu.memory_space<hbm>> -> memref<64x256xf32, #tpu.memory_space<hbm>>
    tpu.enqueue_dma source(%arg6 : memref<64x256xf32, #tpu.memory_space<vmem>>) target(%dma_start3A_349 : memref<64x256xf32, #tpu.memory_space<hbm>>) target_semaphore(%arg20 : memref<!tpu.dma_semaphore, #tpu.memory_space<semaphore_mem>>)
    %dma_wait3A_350 = arith.constant 15 : i32
    %dma_wait3A_351 = arith.constant 0 : i32
    %dma_wait3A_352 = tpu.memref_slice %arg5[%dma_wait3A_350, %dma_wait3A_351] : memref<16x64xi32, #tpu.memory_space<vmem>> -> memref<1x64xi32, #tpu.memory_space<vmem>>
    %dma_wait3A_353 = tpu.memref_squeeze %dma_wait3A_352 : memref<1x64xi32, #tpu.memory_space<vmem>> -> memref<64xi32, #tpu.memory_space<vmem>>
    %dma_wait3A_354 = arith.constant 0 : i32
    %dma_wait3A_355 = arith.constant 0 : i32
    %dma_wait3A_356 = tpu.memref_slice %arg2[%dma_wait3A_354, %dma_wait3A_355] : memref<100000x256xf32, #tpu.memory_space<hbm>> -> memref<100000x256xf32, #tpu.memory_space<hbm>>
    tpu.wait_indirect_dma semaphore(%arg14 : memref<!tpu.dma_semaphore, #tpu.memory_space<semaphore_mem>>) src(%dma_wait3A_356 : memref<100000x256xf32, #tpu.memory_space<hbm>>) dst(%arg7 : memref<64x256xf32, #tpu.memory_space<vmem>>)
    %add3A_357 = arith.constant 960 : i32
    %add3A_358 = arith.addi %mul3A_2, %add3A_357 : i32
    %dma_start3A_359 = arith.constant 0 : i32
    %dma_start3A_360 = tpu.memref_slice %arg4[%add3A_358, %dma_start3A_359] : memref<32768x256xf32, #tpu.memory_space<hbm>> -> memref<64x256xf32, #tpu.memory_space<hbm>>
    %dma_start3A_361 = arith.constant 0 : i32
    %dma_start3A_362 = tpu.memref_slice %arg4[%add3A_358, %dma_start3A_361] : memref<32768x256xf32, #tpu.memory_space<hbm>> -> memref<64x256xf32, #tpu.memory_space<hbm>>
    tpu.enqueue_dma source(%arg7 : memref<64x256xf32, #tpu.memory_space<vmem>>) target(%dma_start3A_362 : memref<64x256xf32, #tpu.memory_space<hbm>>) target_semaphore(%arg21 : memref<!tpu.dma_semaphore, #tpu.memory_space<semaphore_mem>>)
    %dma_wait3A_363 = arith.constant 0 : i32
    %dma_wait3A_364 = tpu.memref_slice %arg4[%add3A_280, %dma_wait3A_363] : memref<32768x256xf32, #tpu.memory_space<hbm>> -> memref<64x256xf32, #tpu.memory_space<hbm>>
    %dma_wait3A_365 = arith.constant 0 : i32
    %dma_wait3A_366 = tpu.memref_slice %arg4[%add3A_280, %dma_wait3A_365] : memref<32768x256xf32, #tpu.memory_space<hbm>> -> memref<64x256xf32, #tpu.memory_space<hbm>>
    tpu.wait_dma2 semaphore(%arg22 : memref<!tpu.dma_semaphore, #tpu.memory_space<semaphore_mem>>) src(%arg8 : memref<64x256xf32, #tpu.memory_space<vmem>>) dst(%dma_wait3A_366 : memref<64x256xf32, #tpu.memory_space<hbm>>)
    %dma_wait3A_367 = arith.constant 0 : i32
    %dma_wait3A_368 = tpu.memref_slice %arg4[%add3A_293, %dma_wait3A_367] : memref<32768x256xf32, #tpu.memory_space<hbm>> -> memref<64x256xf32, #tpu.memory_space<hbm>>
    %dma_wait3A_369 = arith.constant 0 : i32
    %dma_wait3A_370 = tpu.memref_slice %arg4[%add3A_293, %dma_wait3A_369] : memref<32768x256xf32, #tpu.memory_space<hbm>> -> memref<64x256xf32, #tpu.memory_space<hbm>>
    tpu.wait_dma2 semaphore(%arg23 : memref<!tpu.dma_semaphore, #tpu.memory_space<semaphore_mem>>) src(%arg9 : memref<64x256xf32, #tpu.memory_space<vmem>>) dst(%dma_wait3A_370 : memref<64x256xf32, #tpu.memory_space<hbm>>)
    %dma_wait3A_371 = arith.constant 0 : i32
    %dma_wait3A_372 = tpu.memref_slice %arg4[%add3A_306, %dma_wait3A_371] : memref<32768x256xf32, #tpu.memory_space<hbm>> -> memref<64x256xf32, #tpu.memory_space<hbm>>
    %dma_wait3A_373 = arith.constant 0 : i32
    %dma_wait3A_374 = tpu.memref_slice %arg4[%add3A_306, %dma_wait3A_373] : memref<32768x256xf32, #tpu.memory_space<hbm>> -> memref<64x256xf32, #tpu.memory_space<hbm>>
    tpu.wait_dma2 semaphore(%arg24 : memref<!tpu.dma_semaphore, #tpu.memory_space<semaphore_mem>>) src(%arg10 : memref<64x256xf32, #tpu.memory_space<vmem>>) dst(%dma_wait3A_374 : memref<64x256xf32, #tpu.memory_space<hbm>>)
    %dma_wait3A_375 = arith.constant 0 : i32
    %dma_wait3A_376 = tpu.memref_slice %arg4[%add3A_319, %dma_wait3A_375] : memref<32768x256xf32, #tpu.memory_space<hbm>> -> memref<64x256xf32, #tpu.memory_space<hbm>>
    %dma_wait3A_377 = arith.constant 0 : i32
    %dma_wait3A_378 = tpu.memref_slice %arg4[%add3A_319, %dma_wait3A_377] : memref<32768x256xf32, #tpu.memory_space<hbm>> -> memref<64x256xf32, #tpu.memory_space<hbm>>
    tpu.wait_dma2 semaphore(%arg25 : memref<!tpu.dma_semaphore, #tpu.memory_space<semaphore_mem>>) src(%arg11 : memref<64x256xf32, #tpu.memory_space<vmem>>) dst(%dma_wait3A_378 : memref<64x256xf32, #tpu.memory_space<hbm>>)
    %dma_wait3A_379 = arith.constant 0 : i32
    %dma_wait3A_380 = tpu.memref_slice %arg4[%add3A_332, %dma_wait3A_379] : memref<32768x256xf32, #tpu.memory_space<hbm>> -> memref<64x256xf32, #tpu.memory_space<hbm>>
    %dma_wait3A_381 = arith.constant 0 : i32
    %dma_wait3A_382 = tpu.memref_slice %arg4[%add3A_332, %dma_wait3A_381] : memref<32768x256xf32, #tpu.memory_space<hbm>> -> memref<64x256xf32, #tpu.memory_space<hbm>>
    tpu.wait_dma2 semaphore(%arg26 : memref<!tpu.dma_semaphore, #tpu.memory_space<semaphore_mem>>) src(%arg12 : memref<64x256xf32, #tpu.memory_space<vmem>>) dst(%dma_wait3A_382 : memref<64x256xf32, #tpu.memory_space<hbm>>)
    %dma_wait3A_383 = arith.constant 0 : i32
    %dma_wait3A_384 = tpu.memref_slice %arg4[%add3A_345, %dma_wait3A_383] : memref<32768x256xf32, #tpu.memory_space<hbm>> -> memref<64x256xf32, #tpu.memory_space<hbm>>
    %dma_wait3A_385 = arith.constant 0 : i32
    %dma_wait3A_386 = tpu.memref_slice %arg4[%add3A_345, %dma_wait3A_385] : memref<32768x256xf32, #tpu.memory_space<hbm>> -> memref<64x256xf32, #tpu.memory_space<hbm>>
    tpu.wait_dma2 semaphore(%arg20 : memref<!tpu.dma_semaphore, #tpu.memory_space<semaphore_mem>>) src(%arg6 : memref<64x256xf32, #tpu.memory_space<vmem>>) dst(%dma_wait3A_386 : memref<64x256xf32, #tpu.memory_space<hbm>>)
    %dma_wait3A_387 = arith.constant 0 : i32
    %dma_wait3A_388 = tpu.memref_slice %arg4[%add3A_358, %dma_wait3A_387] : memref<32768x256xf32, #tpu.memory_space<hbm>> -> memref<64x256xf32, #tpu.memory_space<hbm>>
    %dma_wait3A_389 = arith.constant 0 : i32
    %dma_wait3A_390 = tpu.memref_slice %arg4[%add3A_358, %dma_wait3A_389] : memref<32768x256xf32, #tpu.memory_space<hbm>> -> memref<64x256xf32, #tpu.memory_space<hbm>>
    tpu.wait_dma2 semaphore(%arg21 : memref<!tpu.dma_semaphore, #tpu.memory_space<semaphore_mem>>) src(%arg7 : memref<64x256xf32, #tpu.memory_space<vmem>>) dst(%dma_wait3A_390 : memref<64x256xf32, #tpu.memory_space<hbm>>)
    return
  }
}

</mosaic_0001>

<sc_bundles>
// kernel: kernel.3.cloned.1.call-start
scs
__scs_entry_jumppad:
0x0: {  	(pc) =	sbr.rel $0x88, $3  }
0x1: {  	(tag) =	ssettag $0x0;
	lr =	simm.s32 $0x1  }
0x2: {  	[smem:$0x3F9F] =	sst lr;
	_ =	strace $0xD0000000  }
0x3: {  	_ = 	snop  }
0x4: {  	_ = 	snop  }
0x5: {  	_ = 	snop  }
0x6: {  	_ = 	snop  }
0x7: {  	_ = 	snop  }
__scs_overlays_trampoline_lowered:
0x8: {  	[smem:$0x3FAE] =	sst s0  }
0x9: {  	[smem:$0x3FAF] =	sst s1  }
0xa: {  	[smem:$0x3FB0] =	sst s2  }
0xb: {  	[smem:$0x3FB1] =	sst s3  }
0xc: {  	[smem:$0x3FB2] =	sst s4  }
0xd: {  	[smem:$0x3FB3] =	sst s5  }
0xe: {  	[smem:$0x3FB4] =	sst s6  }
0xf: {  	[smem:$0x3FB5] =	sst s7  }
0x10: {  	[smem:$0x3FB6] =	sst s8  }
0x11: {  	[smem:$0x3FB7] =	sst s9;
	s0 =	simm.s32 @!p0 $0x0  }
0x12: {  	s1 =	sld [smem:$0x3F9D];
	s0 =	simm.s32 @p0 $0x1  }
0x13: {  	[smem:$0x3FB8] =	sst s0;
	s0 =	simm.s32 @!p1 $0x0  }
0x14: {  	s2 =	sld [smem:$0x3F9C];
	s0 =	simm.s32 @p1 $0x1  }
0x15: {  	[smem:$0x3FB9] =	sst s0;
	s0 =	simm.s32 @!p2 $0x0  }
0x16: {  	s3 =	sld [smem:$0x3FDB];
	s0 =	simm.s32 @p2 $0x1  }
0x17: {  	s4 =	simm.s32 $0x1BF5;
	[smem:$0x3FBB] =	sst s0  }
0x18: {  	s0 =	sld [smem:$0x3F9E];
	_ =	swait.ge [sflag:s4], $0x0  }
0x19: {  	s7 =	sld [smem:$0x3F9F]  }
0x1a: {  	s8 =	sadd.s32 $0xFFFFE003, lr  }
0x1b: {  	s9 =	sadd.s32 $0xFFFFFEF7, lr;
	s5 =	simm.s32 $0xFFFFFFFF;
	p2 =	slt.u32 s8, $0xFFFFF086  }
0x1c: {  	p1 =	slt.u32 s9, $0xF7A;
	s5 =	simm.s32 @!p2 $0x0  }
0x1d: {  	s5 =	simm.s32 @p1 $0x1;
	p0 =	seq.s32 s7, s2  }
0x1e: {  	s7 =	smul.u32 @!p0 $0xF7A, s2;
	p2 =	seq.s32 @!p0 s5, $0x0  }
0x1f: {  	s9 =	smul.u32 $0xF7A, s1;
	s8 =	simm.s32 @!p0 $0x1BF5;
	p2 =	por !p2, p0  }
0x20: {  	[sflag:s8] =	ssyncset.s32 @!p0 $0xFFFFF086;
	s6 =	sadd.s32 @!p0 s3, s7;
	s7 =	simm.s32 @!p0 $0x108  }
0x21: {  	s3 =	sadd.s32 s3, s9;
	s6 =	sadd.s32 @!p0 $0x88, s6;
	s7 =	simm.s32 @p2 $0x1082  }
0x22: {  	[simem:s7], [sflag:s8] =	dma.local @!p0 [hbm:s6], $0xF7A  }
0x23: {  	s9 =	sor.u32 $0xD0000000, s2;
	s6 =	simm.s32 $0x108;
	_ =	swait.ge @!p0 [sflag:s8], $0x0  }
0x24: {  	s3 =	sadd.s32 $0x88, s3;
	s6 =	simm.s32 @!p1 $0x1082;
	[sflag:s4] =	ssyncset.s32 $0xFFFFF086  }
0x25: {  	[simem:s6], [sflag:s4] =	dma.local [hbm:s3], $0xF7A  }
0x26: {  	[smem:$0x3F9F] =	sst s1;
	(tag) =	ssettag s2;
	_ =	strace s9  }
0x27: {  	s1 =	sld [smem:$0x3FAF]  }
0x28: {  	s2 =	sld [smem:$0x3FB0]  }
0x29: {  	s4 =	sld [smem:$0x3FB2]  }
0x2a: {  	p0 =	seq.s32 s5, $0x0;
	s5 =	sld [smem:$0x3FB3]  }
0x2b: {  	s6 =	sld [smem:$0x3FB4]  }
0x2c: {  	s7 =	sld [smem:$0x3FB5]  }
0x2d: {  	s3 =	simm.s32 $0x108;
	s8 =	sld [smem:$0x3FB6]  }
0x2e: {  	s3 =	simm.s32 @!p0 $0x1082;
	s9 =	sld [smem:$0x3FB7]  }
0x2f: {  	lr =	sadd.s32 s0, s3;
	s0 =	sld [smem:$0x3FAE]  }
0x30: {  	s3 =	sld [smem:$0x3FB1]  }
0x31: {  	[smem:$0x3FBA] =	sst s10  }
0x32: {  	s10 =	sld [smem:$0x3FB8];
	_ =	sdelay $0x3  }
0x33: {  	p0 =	seq.s32 s10, $0x1;
	s10 =	sld [smem:$0x3FBA];
	_ =	sdelay $0x3  }
0x34: {  	[smem:$0x3FBA] =	sst s10  }
0x35: {  	s10 =	sld [smem:$0x3FB9];
	_ =	sdelay $0x3  }
0x36: {  	p1 =	seq.s32 s10, $0x1;
	s10 =	sld [smem:$0x3FBA];
	_ =	sdelay $0x3  }
0x37: {  	[smem:$0x3FBA] =	sst s10  }
0x38: {  	s10 =	sld [smem:$0x3FBB]  }
0x39: {  	_ = 	snop;
	(pc) =	sbr.ind lr, $3  }
0x3a: {  	_ = 	snop  }
0x3b: {  	_ = 	snop  }
0x3c: {  	p2 =	seq.s32 s10, $0x1;
	s10 =	sld [smem:$0x3FBA]  }
0x3d: {  	_ =	shalt  }
0x3e: {  	_ =	shalt  }
0x3f: {  	_ =	shalt  }
0x40: {  	_ =	shalt  }
0x41: {  	_ =	shalt  }
0x42: {  	_ =	shalt  }
0x43: {  	_ =	shalt  }
0x44: {  	_ =	shalt  }
0x45: {  	_ =	shalt  }
0x46: {  	_ =	shalt  }
0x47: {  	_ =	shalt  }
0x48: {  	_ =	shalt  }
0x49: {  	_ =	shalt  }
0x4a: {  	_ =	shalt  }
0x4b: {  	_ =	shalt  }
0x4c: {  	_ =	shalt  }
0x4d: {  	_ =	shalt  }
0x4e: {  	_ =	shalt  }
0x4f: {  	_ =	shalt  }
0x50: {  	_ =	shalt  }
0x51: {  	_ =	shalt  }
0x52: {  	_ =	shalt  }
0x53: {  	_ =	shalt  }
0x54: {  	_ =	shalt  }
0x55: {  	_ =	shalt  }
0x56: {  	_ =	shalt  }
0x57: {  	_ =	shalt  }
0x58: {  	_ =	shalt  }
0x59: {  	_ =	shalt  }
0x5a: {  	_ =	shalt  }
0x5b: {  	_ =	shalt  }
0x5c: {  	_ =	shalt  }
0x5d: {  	_ =	shalt  }
0x5e: {  	_ =	shalt  }
0x5f: {  	_ =	shalt  }
0x60: {  	_ =	shalt  }
0x61: {  	_ =	shalt  }
0x62: {  	_ =	shalt  }
0x63: {  	_ =	shalt  }
0x64: {  	_ =	shalt  }
0x65: {  	_ =	shalt  }
0x66: {  	_ =	shalt  }
0x67: {  	_ =	shalt  }
0x68: {  	_ =	shalt  }
0x69: {  	_ =	shalt  }
0x6a: {  	_ =	shalt  }
0x6b: {  	_ =	shalt  }
0x6c: {  	_ =	shalt  }
0x6d: {  	_ =	shalt  }
0x6e: {  	_ =	shalt  }
0x6f: {  	_ =	shalt  }
0x70: {  	_ =	shalt  }
0x71: {  	_ =	shalt  }
0x72: {  	_ =	shalt  }
0x73: {  	_ =	shalt  }
0x74: {  	_ =	shalt  }
0x75: {  	_ =	shalt  }
0x76: {  	_ =	shalt  }
0x77: {  	_ =	shalt  }
0x78: {  	_ =	shalt  }
0x79: {  	_ =	shalt  }
0x7a: {  	_ =	shalt  }
0x7b: {  	_ =	shalt  }
0x7c: {  	_ =	shalt  }
0x7d: {  	_ =	shalt  }
0x7e: {  	_ =	shalt  }
0x7f: {  	_ =	shalt  }
0x80: {  	_ =	shalt  }
0x81: {  	_ =	shalt  }
0x82: {  	_ =	shalt  }
0x83: {  	_ =	shalt  }
0x84: {  	_ =	shalt  }
0x85: {  	_ =	shalt  }
0x86: {  	_ =	shalt  }
0x87: {  	_ =	shalt  }
.Lfunc_end0:
.L_simem_size_0:
called_computation_lowered:
.L_overlay_start_0:
0x88: {  	s2 =	sld [smem:$0x3FD9]  }
0x89: {  	s3 =	sld [smem:$0x3FFE];
	_ =	sdelay $0x1  }
0x8a: {  	s1 =	srdreg.scid  }
0x8b: {  	s0 =	sand.u32 $0x1, s1  }
0x8c: {  	s17 =	sshll.u32 s0, $0xA;
	s2 =	sadd.s32 s3, s2  }
0x8d: {  	s2 =	sadd.s32 s2, s17  }
0x8e: {  	[smem:$0x3FC6] =	sst s2  }
0x8f: {  	_ = 	snop  }
0x90: {  	s2 =	sld [smem:$0x3FC9]  }
0x91: {  	s18 =	sld [smem:$0x3FD0];
	(tm) =	ssettm $0x1  }
0x92: {  	s4 =	sld [smem:$0x3FFB];
	_ =	sdelay $0x3  }
0x93: {  	_ =	strace s4  }
0x94: {  	s4 =	sld [smem:$0x3FFC];
	_ =	sdelay $0x3  }
0x95: {  	_ =	strace s4  }
0x96: {  	s4 =	sld [smem:$0x3FFD];
	_ =	sdelay $0x3  }
0x97: {  	_ =	strace s4  }
0x98: {  	_ =	strace $0x8FFFFFFF  }
0x99: {  	s19 =	sld [smem:$0x3FDB];
	_ =	sdelay $0x1  }
0x9a: {  	s5 =	simm.s32 $_scs_section_size  }
0x9b: {  	s6 =	simm.s32 $_size__tile_overlayer_lowered;
	s7 =	simm.s32 $_tile_overlayer_lowered  }
0x9c: {  	s22 =	simm.s32 $0x1BFF;
	s21 =	sshll.u32 s7, $0x1;
	s4 =	sadd.s32 s5, s19  }
0x9d: {  	s8 =	simm.s32 $0x0;
	s20 =	sshll.u32 s6, $0x1;
	s6 =	sadd.s32 s21, s4  }
0x9e: {  	[timem:s8], [sflag:s22] =	dma.local [hbm:s6], s20  }
0x9f: {  	_ =	swait.ge [sflag:s22], s20  }
0xa0: {  	s5 =	ssub.s32 $0x0, s20;
	[sflag:s22] =	ssyncset.done $0x0  }
0xa1: {  	[sflag:s22] =	ssyncadd.s32 s5;
	_ =	sdelay $0x1  }
0xa2: {  	s23 =	simm.s32 $0x1B8B  }
0xa3: {  	_ =	swait.ge [sflag:s23], $0x1  }
0xa4: {  	[sflag:s23] =	ssyncset.done $0x0  }
0xa5: {  	s25 =	simm.s32 $0x1B8E;
	s24 =	sld [smem:$0x3FFE];
	[sflag:s23] =	ssyncadd.s32 $0xFFFFFFFF  }
0xa6: {  	s26 =	simm.s32 $execute0_lowered;
	[smem:$0x3FD2] =	sst s25  }
0xa7: {  	s6 =	sshll.u32 s26, $0x1;
	_ =	strace $0x80000046;
	[dreg:$0x1] =	wrdreg $0xFFFFFFFF  }
0xa8: {  	s28 =	simm.s32 $_size_execute0_lowered;
	s4 =	sadd.s32 s4, s6;
	[dreg:$0x0] =	wrdreg $0x0  }
0xa9: {  	s6 =	sshll.u32 s28, $0x1;
	[dreg:$0x2] =	wrdreg s4  }
0xaa: {  	[dreg:$0x3] =	wrdreg s6  }
0xab: {  	[dreg:$0x4] =	wrdreg $0xC0  }
0xac: {  	_ =	task [dreg:s8], $0x5FFFF  }
0xad: {  	[dreg:$0x1] =	wrdreg $0xFFFFFFFF  }
0xae: {  	[dreg:$0x0] =	wrdreg $0x60  }
0xaf: {  	[dreg:$0x2] =	wrdreg s2  }
0xb0: {  	[dreg:$0x3] =	wrdreg s24  }
0xb1: {  	[dreg:$0x4] =	wrdreg s18  }
0xb2: {  	[dreg:$0x5] =	wrdreg $0x9  }
0xb3: {  	_ =	task.clear_ibuf [dreg:s8], $0x6FFFF;
	_ =	strace $0x90000046  }
0xb4: {  	s29 =	simm.s32 $0x9;
	_ =	strace $0x80000048  }
0xb5: {  	_ =	swait.ge [sflag:s29], $0x1  }
0xb6: {  	[sflag:s29] =	ssyncadd.s32 $0xFFFFFFFF  }
0xb7: {  	_ =	strace $0x90000048  }
0xb8: {  	_ =	sfence  }
0xb9: {  	s30 =	sld [smem:$0x0];
	_ =	sdelay $0x2  }
0xba: {  	s31 =	sshll.u32 s1, $0xD;
	s1 =	sshrl.u32 s1, $0x2  }
0xbb: {  	s3 =	sand.u32 $0x4000, s31;
	s1 =	sadd.s32 s1, s30  }
0xbc: {  	s0 =	sor.u32 s3, s0;
	s1 =	sshll.u32 s1, $0x11  }
0xbd: {  	s0 =	sor.u32 s1, s0  }
0xbe: {  	s0 =	sadd.s32 $0x8F2B, s0  }
0xbf: {  	[sflag:s0] =	ssyncadd.remote.s32 $0x1  }
0xc0: {  	_ =	sfence.sel $0xFFFF  }
0xc1: {  	[dreg:$0x0] =	wrdreg $0xFFFFFFFF;
	(pc) =	sbr.abs _section_cstart, $3  }
0xc2: {  	[dreg:$0x1] =	wrdreg $0xFFFFFFFF  }
0xc3: {  	_ =	task.clear_ibuf [dreg:s8], $0x2FFFF;
	_ =	strace $0x9FFFFFFF  }
0xc4: {  	(tm) =	ssettm $0x7FFFFFFF  }
0xc5: {  	_ =	shalt  }
tec
execute0_lowered:
.L_overlay_start_1:
0x0: {  	(tag) =	ssettag $0x1  }
0x1: {  	s1 =	rddreg [dreg:$0x0]  }
0x2: {  	s0 =	srdreg.scid;
	s3 =	stileid.u32  }
0x3: {  	s2 =	rddreg [dreg:$0x1];
	s0 =	sand.u32 $0x1, s0;
	s3 =	sshll.u32 s3, $0x1  }
0x4: {  	s4 =	rddreg [dreg:$0x2];
	s5 =	sor.u32 s0, s3  }
0x5: {  	s26 =	simm.s32 $0x400;
	s3 =	simm.s32 $0x0;
	s6 =	sshll.u32 s5, $0x8  }
0x6: {  	[smem:$0x7FF] =	sst s3;
	s5 =	sshll.u32 s5, $0xF;
	s2 =	sadd.s32 s6, s2  }
0x7: {  	_ =	strace $0x80000047;
	s5 =	sadd.s32 s4, s5;
	[dreg:$0x15] =	wrdreg s26  }
0x8: {  	s6 =	sadd.s32 $0x400, s2;
	[dreg:$0x16] =	wrdreg s5  }
0x9: {  	s2 =	sadd.s32 $0x480, s2;
	[dreg:$0x4] =	wrdreg s6  }
0xa: {  	s10 =	sadd.s32 $0x800, s5;
	[dreg:$0x5] =	wrdreg s2  }
0xb: {  	s11 =	sadd.s32 $0x1000, s5;
	[dreg:$0x6] =	wrdreg s10  }
0xc: {  	s12 =	sadd.s32 $0x1800, s5;
	[dreg:$0x7] =	wrdreg s11  }
0xd: {  	s13 =	sadd.s32 $0x2000, s5;
	[dreg:$0x8] =	wrdreg s12  }
0xe: {  	s14 =	sadd.s32 $0x2800, s5;
	[dreg:$0x9] =	wrdreg s13  }
0xf: {  	s29 =	simm.s32 $0x1;
	s15 =	sadd.s32 $0x3000, s5;
	[dreg:$0xa] =	wrdreg s14  }
0x10: {  	s30 =	simm.s32 $0x8;
	s16 =	sadd.s32 $0x3800, s5;
	[dreg:$0xb] =	wrdreg s15  }
0x11: {  	s28 =	simm.s32 $0x4800;
	s17 =	sadd.s32 $0x4000, s5;
	[dreg:$0xc] =	wrdreg s16  }
0x12: {  	s31 =	simm.s32 $0xD000;
	s18 =	sadd.s32 $0x4800, s5;
	[dreg:$0xd] =	wrdreg s17  }
0x13: {  	s0 =	ssub.s32 $0x2, s0;
	s19 =	sadd.s32 $0x5000, s5;
	[dreg:$0xe] =	wrdreg s18  }
0x14: {  	s23 =	sshrl.u32 s0, $0x1;
	s20 =	sadd.s32 $0x5800, s5;
	[dreg:$0xf] =	wrdreg s19  }
0x15: {  	s0 =	ssub.s32 s0, s23;
	s21 =	sadd.s32 $0x6000, s5;
	[dreg:$0x10] =	wrdreg s20  }
0x16: {  	s26 =	simm.s32 $0x9;
	s22 =	sadd.s32 $0x6800, s5;
	[dreg:$0x11] =	wrdreg s21  }
0x17: {  	s23 =	simm.s32 $0x13000;
	s24 =	sadd.s32 $0x7000, s5;
	[dreg:$0x12] =	wrdreg s22  }
0x18: {  	s25 =	sadd.s32 $0x7800, s5;
	s5 =	smax.u32 s0, $0x1;
	[dreg:$0x13] =	wrdreg s24  }
0x19: {  	v2 =	vlaneseq.u32;
	[dreg:$0x14] =	wrdreg s25;
	s24 =	simm.s32 $0x2;
	s15 =	simm.s32 $0x800  }
0x1a: {  	vm0 =	vmmov $0xffff;
	v1 =	vshrl.u32 v2, $0x3;
	s25 =	simm.s32 $0x9800;
	s20 =	simm.s32 $0xB000;
	s21 =	simm.s32 $0xB800  }
0x1b: {  	v0 =	vand.u32 $0x7, v2;
	v2 =	vor.u32 $0x8, v2;
	v1 =	vmul.u32 $0x8, v1;
	s22 =	simm.s32 $0xC000;
	s14 =	simm.s32 $0x14800;
	s2 =	simm.s32 $0x18800  }
.LBB2_1:
0x1c: {  	s17 =	rddreg [dreg:$0x4];
	s7 =	simm.s32 $0xF  }
0x1d: {  	[tilespmem:s3], [sflag:$0xF] =	stream.linear.gather [hbm4b:s17+s3], $0x400, $0x38;
	[tilespmem:$0x1C800] =	vst v63  }
0x1e: {  	_ =	swait.ge [sflag:s7], $0x400  }
0x1f: {  	[sflag:s7] =	ssyncset.done $0x0  }
0x20: {  	[sflag:s7] =	ssyncadd.s32 $0xFFFFFC00  }
0x21: {  	v3 =	vld [tilespmem:$0x0];
	_ =	sdelay $0x4  }
0x22: {  	v4 =	vshll.u32 v3, $0x1  }
0x23: {  	v3 =	vand.u32 $0x7, v3;
	v4 =	vand.u32 $0xFFFFFFF0, v4  }
0x24: {  	v3 =	vor.u32 v3, v4  }
0x25: {  	v4 =	vperm.xlane v3, v0;
	_ =	sdelay $0x1  }
0x26: {  	v3 =	vperm.xlane v3, v2;
	v4 =	vadd.s32 v1, v4;
	_ =	sdelay $0x1  }
0x27: {  	v3 =	vadd.s32 v1, v3;
	_ =	sdelay $0x2  }
0x28: {  	[tilespmem:s15], [sflag:$0x1] =	stream.indirect_vreg.gather [hbm4b:s1+s3], $0x80, v4, vm0, $0xb8;
	[tilespmem:$0x1C800] =	vst v63  }
0x29: {  	s0 =	simm.s32 $0x1000  }
0x2a: {  	[tilespmem:s0], [sflag:$0x1] =	stream.indirect_vreg.gather [hbm4b:s1+s3], $0x80, v3, vm0, $0xb8;
	[tilespmem:$0x1C800] =	vst v63  }
0x2b: {  	v3 =	vld [tilespmem:$0x10];
	_ =	sdelay $0x4  }
0x2c: {  	v57 =	vshll.u32 v3, $0x1  }
0x2d: {  	v3 =	vand.u32 $0x7, v3;
	v4 =	vand.u32 $0xFFFFFFF0, v57  }
0x2e: {  	v3 =	vor.u32 v3, v4  }
0x2f: {  	v4 =	vperm.xlane v3, v0;
	_ =	sdelay $0x1  }
0x30: {  	v3 =	vperm.xlane v3, v2;
	v4 =	vadd.s32 v1, v4;
	_ =	sdelay $0x1  }
0x31: {  	v3 =	vadd.s32 v1, v3;
	_ =	sdelay $0x1  }
0x32: {  	s11 =	simm.s32 $0x1800  }
0x33: {  	[tilespmem:s11], [sflag:$0x1] =	stream.indirect_vreg.gather [hbm4b:s1+s3], $0x80, v4, vm0, $0xb8;
	[tilespmem:$0x1C800] =	vst v63  }
0x34: {  	s12 =	simm.s32 $0x2000  }
0x35: {  	[tilespmem:s12], [sflag:$0x1] =	stream.indirect_vreg.gather [hbm4b:s1+s3], $0x80, v3, vm0, $0xb8;
	[tilespmem:$0x1C800] =	vst v63  }
0x36: {  	v3 =	vld [tilespmem:$0x20];
	_ =	sdelay $0x4  }
0x37: {  	v58 =	vshll.u32 v3, $0x1  }
0x38: {  	v3 =	vand.u32 $0x7, v3;
	v4 =	vand.u32 $0xFFFFFFF0, v58  }
0x39: {  	v3 =	vor.u32 v3, v4  }
0x3a: {  	v4 =	vperm.xlane v3, v0;
	_ =	sdelay $0x1  }
0x3b: {  	v3 =	vperm.xlane v3, v2;
	v4 =	vadd.s32 v1, v4;
	_ =	sdelay $0x1  }
0x3c: {  	v3 =	vadd.s32 v1, v3;
	_ =	sdelay $0x1  }
0x3d: {  	s13 =	simm.s32 $0x2800  }
0x3e: {  	[tilespmem:s13], [sflag:$0x1] =	stream.indirect_vreg.gather [hbm4b:s1+s3], $0x80, v4, vm0, $0xb8;
	[tilespmem:$0x1C800] =	vst v63  }
0x3f: {  	s16 =	simm.s32 $0x3000  }
0x40: {  	[tilespmem:s16], [sflag:$0x1] =	stream.indirect_vreg.gather [hbm4b:s1+s3], $0x80, v3, vm0, $0xb8;
	[tilespmem:$0x1C800] =	vst v63  }
0x41: {  	v3 =	vld [tilespmem:$0x30];
	_ =	sdelay $0x4  }
0x42: {  	v59 =	vshll.u32 v3, $0x1  }
0x43: {  	v3 =	vand.u32 $0x7, v3;
	v4 =	vand.u32 $0xFFFFFFF0, v59  }
0x44: {  	v3 =	vor.u32 v3, v4  }
0x45: {  	v4 =	vperm.xlane v3, v0;
	_ =	sdelay $0x1  }
0x46: {  	v3 =	vperm.xlane v3, v2;
	v4 =	vadd.s32 v1, v4;
	_ =	sdelay $0x1  }
0x47: {  	v3 =	vadd.s32 v1, v3;
	_ =	sdelay $0x1  }
0x48: {  	s17 =	simm.s32 $0x3800  }
0x49: {  	[tilespmem:s17], [sflag:$0x1] =	stream.indirect_vreg.gather [hbm4b:s1+s3], $0x80, v4, vm0, $0xb8;
	[tilespmem:$0x1C800] =	vst v63  }
0x4a: {  	s18 =	simm.s32 $0x4000  }
0x4b: {  	[tilespmem:s18], [sflag:$0x1] =	stream.indirect_vreg.gather [hbm4b:s1+s3], $0x80, v3, vm0, $0xb8;
	[tilespmem:$0x1C800] =	vst v63  }
0x4c: {  	v3 =	vld [tilespmem:$0x80];
	_ =	sdelay $0x4  }
0x4d: {  	v60 =	vshll.u32 v3, $0x1  }
0x4e: {  	v3 =	vand.u32 $0x7, v3;
	v4 =	vand.u32 $0xFFFFFFF0, v60  }
0x4f: {  	v3 =	vor.u32 v3, v4  }
0x50: {  	v4 =	vperm.xlane v3, v0;
	_ =	sdelay $0x1  }
0x51: {  	v3 =	vperm.xlane v3, v2;
	v4 =	vadd.s32 v1, v4;
	_ =	sdelay $0x1  }
0x52: {  	v3 =	vadd.s32 v1, v3;
	_ =	sdelay $0x2  }
0x53: {  	[tilespmem:s28], [sflag:$0x2] =	stream.indirect_vreg.gather [hbm4b:s1+s3], $0x80, v4, vm0, $0xb8;
	[tilespmem:$0x1C800] =	vst v63  }
0x54: {  	s19 =	simm.s32 $0x5000  }
0x55: {  	[tilespmem:s19], [sflag:$0x2] =	stream.indirect_vreg.gather [hbm4b:s1+s3], $0x80, v3, vm0, $0xb8;
	[tilespmem:$0x1C800] =	vst v63  }
0x56: {  	v3 =	vld [tilespmem:$0x90];
	_ =	sdelay $0x4  }
0x57: {  	v61 =	vshll.u32 v3, $0x1  }
0x58: {  	v3 =	vand.u32 $0x7, v3;
	v4 =	vand.u32 $0xFFFFFFF0, v61  }
0x59: {  	v3 =	vor.u32 v3, v4  }
0x5a: {  	v4 =	vperm.xlane v3, v0;
	_ =	sdelay $0x1  }
0x5b: {  	v3 =	vperm.xlane v3, v2;
	v4 =	vadd.s32 v1, v4;
	_ =	sdelay $0x1  }
0x5c: {  	v3 =	vadd.s32 v1, v3;
	_ =	sdelay $0x1  }
0x5d: {  	s4 =	simm.s32 $0x5800  }
0x5e: {  	[tilespmem:s4], [sflag:$0x2] =	stream.indirect_vreg.gather [hbm4b:s1+s3], $0x80, v4, vm0, $0xb8;
	[tilespmem:$0x1C800] =	vst v63  }
0x5f: {  	s6 =	simm.s32 $0x6000  }
0x60: {  	[tilespmem:s6], [sflag:$0x2] =	stream.indirect_vreg.gather [hbm4b:s1+s3], $0x80, v3, vm0, $0xb8;
	[tilespmem:$0x1C800] =	vst v63  }
0x61: {  	v3 =	vld [tilespmem:$0xA0];
	_ =	sdelay $0x4  }
0x62: {  	v62 =	vshll.u32 v3, $0x1  }
0x63: {  	v3 =	vand.u32 $0x7, v3;
	v4 =	vand.u32 $0xFFFFFFF0, v62  }
0x64: {  	v3 =	vor.u32 v3, v4  }
0x65: {  	v4 =	vperm.xlane v3, v0;
	_ =	sdelay $0x1  }
0x66: {  	v3 =	vperm.xlane v3, v2;
	v4 =	vadd.s32 v1, v4;
	_ =	sdelay $0x1  }
0x67: {  	v3 =	vadd.s32 v1, v3;
	_ =	sdelay $0x1  }
0x68: {  	s8 =	simm.s32 $0x6800  }
0x69: {  	[tilespmem:s8], [sflag:$0x2] =	stream.indirect_vreg.gather [hbm4b:s1+s3], $0x80, v4, vm0, $0xb8;
	[tilespmem:$0x1C800] =	vst v63  }
0x6a: {  	s9 =	simm.s32 $0x7000  }
0x6b: {  	[tilespmem:s9], [sflag:$0x2] =	stream.indirect_vreg.gather [hbm4b:s1+s3], $0x80, v3, vm0, $0xb8;
	[tilespmem:$0x1C800] =	vst v63  }
0x6c: {  	v3 =	vld [tilespmem:$0xB0];
	_ =	sdelay $0x4  }
0x6d: {  	v63 =	vshll.u32 v3, $0x1  }
0x6e: {  	v3 =	vand.u32 $0x7, v3;
	v4 =	vand.u32 $0xFFFFFFF0, v63  }
0x6f: {  	v3 =	vor.u32 v3, v4  }
0x70: {  	v4 =	vperm.xlane v3, v0;
	_ =	sdelay $0x1  }
0x71: {  	v3 =	vperm.xlane v3, v2;
	v4 =	vadd.s32 v1, v4;
	_ =	sdelay $0x1  }
0x72: {  	v3 =	vadd.s32 v1, v3;
	_ =	sdelay $0x1  }
0x73: {  	s10 =	simm.s32 $0x7800  }
0x74: {  	[tilespmem:s10], [sflag:$0x2] =	stream.indirect_vreg.gather [hbm4b:s1+s3], $0x80, v4, vm0, $0xb8;
	[tilespmem:$0x1C800] =	vst v63  }
0x75: {  	s11 =	simm.s32 $0x8000  }
0x76: {  	[tilespmem:s11], [sflag:$0x2] =	stream.indirect_vreg.gather [hbm4b:s1+s3], $0x80, v3, vm0, $0xb8;
	[tilespmem:$0x1C800] =	vst v63  }
0x77: {  	v3 =	vld [tilespmem:$0x100];
	_ =	sdelay $0x4  }
0x78: {  	v8 =	vshll.u32 v3, $0x1  }
0x79: {  	v3 =	vand.u32 $0x7, v3;
	v4 =	vand.u32 $0xFFFFFFF0, v8  }
0x7a: {  	v3 =	vor.u32 v3, v4  }
0x7b: {  	v4 =	vperm.xlane v3, v0;
	_ =	sdelay $0x1  }
0x7c: {  	v3 =	vperm.xlane v3, v2;
	v4 =	vadd.s32 v1, v4;
	_ =	sdelay $0x1  }
0x7d: {  	v3 =	vadd.s32 v1, v3;
	_ =	sdelay $0x1  }
0x7e: {  	s12 =	simm.s32 $0x8800  }
0x7f: {  	[tilespmem:s12], [sflag:$0x3] =	stream.indirect_vreg.gather [hbm4b:s1+s3], $0x80, v4, vm0, $0xb8;
	[tilespmem:$0x1C800] =	vst v63  }
0x80: {  	s6 =	simm.s32 $0x9000  }
0x81: {  	[tilespmem:s6], [sflag:$0x3] =	stream.indirect_vreg.gather [hbm4b:s1+s3], $0x80, v3, vm0, $0xb8;
	[tilespmem:$0x1C800] =	vst v63  }
0x82: {  	v3 =	vld [tilespmem:$0x110];
	_ =	sdelay $0x4  }
0x83: {  	v9 =	vshll.u32 v3, $0x1  }
0x84: {  	v3 =	vand.u32 $0x7, v3;
	v4 =	vand.u32 $0xFFFFFFF0, v9  }
0x85: {  	v3 =	vor.u32 v3, v4  }
0x86: {  	v4 =	vperm.xlane v3, v0;
	_ =	sdelay $0x1  }
0x87: {  	v3 =	vperm.xlane v3, v2;
	v4 =	vadd.s32 v1, v4;
	_ =	sdelay $0x1  }
0x88: {  	v3 =	vadd.s32 v1, v3;
	_ =	sdelay $0x2  }
0x89: {  	[tilespmem:s25], [sflag:$0x3] =	stream.indirect_vreg.gather [hbm4b:s1+s3], $0x80, v4, vm0, $0xb8;
	[tilespmem:$0x1C800] =	vst v63  }
0x8a: {  	s4 =	simm.s32 $0xA000  }
0x8b: {  	[tilespmem:s4], [sflag:$0x3] =	stream.indirect_vreg.gather [hbm4b:s1+s3], $0x80, v3, vm0, $0xb8;
	[tilespmem:$0x1C800] =	vst v63  }
0x8c: {  	v3 =	vld [tilespmem:$0x120];
	_ =	sdelay $0x4  }
0x8d: {  	v10 =	vshll.u32 v3, $0x1  }
0x8e: {  	v3 =	vand.u32 $0x7, v3;
	v4 =	vand.u32 $0xFFFFFFF0, v10  }
0x8f: {  	v3 =	vor.u32 v3, v4  }
0x90: {  	v4 =	vperm.xlane v3, v0;
	_ =	sdelay $0x1  }
0x91: {  	v3 =	vperm.xlane v3, v2;
	v4 =	vadd.s32 v1, v4;
	_ =	sdelay $0x1  }
0x92: {  	v3 =	vadd.s32 v1, v3;
	_ =	sdelay $0x1  }
0x93: {  	s19 =	simm.s32 $0xA800  }
0x94: {  	[tilespmem:s19], [sflag:$0x3] =	stream.indirect_vreg.gather [hbm4b:s1+s3], $0x80, v4, vm0, $0xb8;
	[tilespmem:$0x1C800] =	vst v63  }
0x95: {  	_ = 	snop  }
0x96: {  	[tilespmem:s20], [sflag:$0x3] =	stream.indirect_vreg.gather [hbm4b:s1+s3], $0x80, v3, vm0, $0xb8;
	[tilespmem:$0x1C800] =	vst v63  }
0x97: {  	v3 =	vld [tilespmem:$0x130];
	_ =	sdelay $0x4  }
0x98: {  	v11 =	vshll.u32 v3, $0x1  }
0x99: {  	v3 =	vand.u32 $0x7, v3;
	v4 =	vand.u32 $0xFFFFFFF0, v11  }
0x9a: {  	v3 =	vor.u32 v3, v4  }
0x9b: {  	v4 =	vperm.xlane v3, v0;
	_ =	sdelay $0x1  }
0x9c: {  	v3 =	vperm.xlane v3, v2;
	v4 =	vadd.s32 v1, v4;
	_ =	sdelay $0x1  }
0x9d: {  	v3 =	vadd.s32 v1, v3;
	_ =	sdelay $0x2  }
0x9e: {  	[tilespmem:s21], [sflag:$0x3] =	stream.indirect_vreg.gather [hbm4b:s1+s3], $0x80, v4, vm0, $0xb8;
	[tilespmem:$0x1C800] =	vst v63  }
0x9f: {  	_ = 	snop  }
0xa0: {  	[tilespmem:s22], [sflag:$0x3] =	stream.indirect_vreg.gather [hbm4b:s1+s3], $0x80, v3, vm0, $0xb8;
	[tilespmem:$0x1C800] =	vst v63  }
0xa1: {  	v3 =	vld [tilespmem:$0x180];
	_ =	sdelay $0x4  }
0xa2: {  	v12 =	vshll.u32 v3, $0x1  }
0xa3: {  	v3 =	vand.u32 $0x7, v3;
	v4 =	vand.u32 $0xFFFFFFF0, v12  }
0xa4: {  	v3 =	vor.u32 v3, v4  }
0xa5: {  	v4 =	vperm.xlane v3, v0;
	_ =	sdelay $0x1  }
0xa6: {  	v3 =	vperm.xlane v3, v2;
	v4 =	vadd.s32 v1, v4;
	_ =	sdelay $0x1  }
0xa7: {  	v3 =	vadd.s32 v1, v3;
	_ =	sdelay $0x1  }
0xa8: {  	s13 =	simm.s32 $0xC800  }
0xa9: {  	[tilespmem:s13], [sflag:$0x4] =	stream.indirect_vreg.gather [hbm4b:s1+s3], $0x80, v4, vm0, $0xb8;
	[tilespmem:$0x1C800] =	vst v63  }
0xaa: {  	_ = 	snop  }
0xab: {  	[tilespmem:s31], [sflag:$0x4] =	stream.indirect_vreg.gather [hbm4b:s1+s3], $0x80, v3, vm0, $0xb8;
	[tilespmem:$0x1C800] =	vst v63  }
0xac: {  	v3 =	vld [tilespmem:$0x190];
	_ =	sdelay $0x4  }
0xad: {  	v13 =	vshll.u32 v3, $0x1  }
0xae: {  	v3 =	vand.u32 $0x7, v3;
	v4 =	vand.u32 $0xFFFFFFF0, v13  }
0xaf: {  	v3 =	vor.u32 v3, v4  }
0xb0: {  	v4 =	vperm.xlane v3, v0;
	_ =	sdelay $0x1  }
0xb1: {  	v3 =	vperm.xlane v3, v2;
	v4 =	vadd.s32 v1, v4;
	_ =	sdelay $0x1  }
0xb2: {  	v3 =	vadd.s32 v1, v3;
	_ =	sdelay $0x1  }
0xb3: {  	s13 =	simm.s32 $0xD800  }
0xb4: {  	[tilespmem:s13], [sflag:$0x4] =	stream.indirect_vreg.gather [hbm4b:s1+s3], $0x80, v4, vm0, $0xb8;
	[tilespmem:$0x1C800] =	vst v63  }
0xb5: {  	s8 =	simm.s32 $0xE000  }
0xb6: {  	[tilespmem:s8], [sflag:$0x4] =	stream.indirect_vreg.gather [hbm4b:s1+s3], $0x80, v3, vm0, $0xb8;
	[tilespmem:$0x1C800] =	vst v63  }
0xb7: {  	v3 =	vld [tilespmem:$0x1A0];
	_ =	sdelay $0x4  }
0xb8: {  	v14 =	vshll.u32 v3, $0x1  }
0xb9: {  	v3 =	vand.u32 $0x7, v3;
	v4 =	vand.u32 $0xFFFFFFF0, v14  }
0xba: {  	v3 =	vor.u32 v3, v4  }
0xbb: {  	v4 =	vperm.xlane v3, v0;
	_ =	sdelay $0x1  }
0xbc: {  	v3 =	vperm.xlane v3, v2;
	v4 =	vadd.s32 v1, v4;
	_ =	sdelay $0x1  }
0xbd: {  	v3 =	vadd.s32 v1, v3;
	_ =	sdelay $0x1  }
0xbe: {  	s9 =	simm.s32 $0xE800  }
0xbf: {  	[tilespmem:s9], [sflag:$0x4] =	stream.indirect_vreg.gather [hbm4b:s1+s3], $0x80, v4, vm0, $0xb8;
	[tilespmem:$0x1C800] =	vst v63  }
0xc0: {  	s10 =	simm.s32 $0xF000  }
0xc1: {  	[tilespmem:s10], [sflag:$0x4] =	stream.indirect_vreg.gather [hbm4b:s1+s3], $0x80, v3, vm0, $0xb8;
	[tilespmem:$0x1C800] =	vst v63  }
0xc2: {  	v3 =	vld [tilespmem:$0x1B0];
	_ =	sdelay $0x4  }
0xc3: {  	v15 =	vshll.u32 v3, $0x1  }
0xc4: {  	v3 =	vand.u32 $0x7, v3;
	v4 =	vand.u32 $0xFFFFFFF0, v15  }
0xc5: {  	v3 =	vor.u32 v3, v4  }
0xc6: {  	v4 =	vperm.xlane v3, v0;
	_ =	sdelay $0x1  }
0xc7: {  	v3 =	vperm.xlane v3, v2;
	v4 =	vadd.s32 v1, v4;
	_ =	sdelay $0x1  }
0xc8: {  	v3 =	vadd.s32 v1, v3;
	_ =	sdelay $0x1  }
0xc9: {  	s11 =	simm.s32 $0xF800  }
0xca: {  	[tilespmem:s11], [sflag:$0x4] =	stream.indirect_vreg.gather [hbm4b:s1+s3], $0x80, v4, vm0, $0xb8;
	[tilespmem:$0x1C800] =	vst v63  }
0xcb: {  	s12 =	simm.s32 $0x10000  }
0xcc: {  	[tilespmem:s12], [sflag:$0x4] =	stream.indirect_vreg.gather [hbm4b:s1+s3], $0x80, v3, vm0, $0xb8;
	[tilespmem:$0x1C800] =	vst v63  }
0xcd: {  	v3 =	vld [tilespmem:$0x200];
	_ =	sdelay $0x4  }
0xce: {  	v16 =	vshll.u32 v3, $0x1  }
0xcf: {  	v3 =	vand.u32 $0x7, v3;
	v4 =	vand.u32 $0xFFFFFFF0, v16  }
0xd0: {  	v3 =	vor.u32 v3, v4  }
0xd1: {  	v4 =	vperm.xlane v3, v0;
	_ =	sdelay $0x1  }
0xd2: {  	v3 =	vperm.xlane v3, v2;
	v4 =	vadd.s32 v1, v4;
	_ =	sdelay $0x1  }
0xd3: {  	v3 =	vadd.s32 v1, v3;
	_ =	sdelay $0x1  }
0xd4: {  	s16 =	simm.s32 $0x10800  }
0xd5: {  	[tilespmem:s16], [sflag:$0x5] =	stream.indirect_vreg.gather [hbm4b:s1+s3], $0x80, v4, vm0, $0xb8;
	[tilespmem:$0x1C800] =	vst v63  }
0xd6: {  	s17 =	simm.s32 $0x11000  }
0xd7: {  	[tilespmem:s17], [sflag:$0x5] =	stream.indirect_vreg.gather [hbm4b:s1+s3], $0x80, v3, vm0, $0xb8;
	[tilespmem:$0x1C800] =	vst v63  }
0xd8: {  	v3 =	vld [tilespmem:$0x210];
	_ =	sdelay $0x4  }
0xd9: {  	v17 =	vshll.u32 v3, $0x1  }
0xda: {  	v3 =	vand.u32 $0x7, v3;
	v4 =	vand.u32 $0xFFFFFFF0, v17  }
0xdb: {  	v3 =	vor.u32 v3, v4  }
0xdc: {  	v4 =	vperm.xlane v3, v0;
	_ =	sdelay $0x1  }
0xdd: {  	v3 =	vperm.xlane v3, v2;
	v4 =	vadd.s32 v1, v4;
	_ =	sdelay $0x1  }
0xde: {  	v3 =	vadd.s32 v1, v3;
	_ =	sdelay $0x1  }
0xdf: {  	s16 =	simm.s32 $0x11800  }
0xe0: {  	[tilespmem:s16], [sflag:$0x5] =	stream.indirect_vreg.gather [hbm4b:s1+s3], $0x80, v4, vm0, $0xb8;
	[tilespmem:$0x1C800] =	vst v63  }
0xe1: {  	s18 =	simm.s32 $0x12000  }
0xe2: {  	[tilespmem:s18], [sflag:$0x5] =	stream.indirect_vreg.gather [hbm4b:s1+s3], $0x80, v3, vm0, $0xb8;
	[tilespmem:$0x1C800] =	vst v63  }
0xe3: {  	v3 =	vld [tilespmem:$0x220];
	_ =	sdelay $0x4  }
0xe4: {  	v18 =	vshll.u32 v3, $0x1  }
0xe5: {  	v3 =	vand.u32 $0x7, v3;
	v4 =	vand.u32 $0xFFFFFFF0, v18  }
0xe6: {  	v3 =	vor.u32 v3, v4  }
0xe7: {  	v4 =	vperm.xlane v3, v0;
	_ =	sdelay $0x1  }
0xe8: {  	v3 =	vperm.xlane v3, v2;
	v4 =	vadd.s32 v1, v4;
	_ =	sdelay $0x1  }
0xe9: {  	v3 =	vadd.s32 v1, v3;
	_ =	sdelay $0x1  }
0xea: {  	s17 =	simm.s32 $0x12800  }
0xeb: {  	[tilespmem:s17], [sflag:$0x5] =	stream.indirect_vreg.gather [hbm4b:s1+s3], $0x80, v4, vm0, $0xb8;
	[tilespmem:$0x1C800] =	vst v63  }
0xec: {  	_ = 	snop  }
0xed: {  	[tilespmem:s23], [sflag:$0x5] =	stream.indirect_vreg.gather [hbm4b:s1+s3], $0x80, v3, vm0, $0xb8;
	[tilespmem:$0x1C800] =	vst v63  }
0xee: {  	v3 =	vld [tilespmem:$0x230];
	_ =	sdelay $0x4  }
0xef: {  	v19 =	vshll.u32 v3, $0x1  }
0xf0: {  	v3 =	vand.u32 $0x7, v3;
	v4 =	vand.u32 $0xFFFFFFF0, v19  }
0xf1: {  	v3 =	vor.u32 v3, v4  }
0xf2: {  	v4 =	vperm.xlane v3, v0;
	_ =	sdelay $0x1  }
0xf3: {  	v3 =	vperm.xlane v3, v2;
	v4 =	vadd.s32 v1, v4;
	_ =	sdelay $0x1  }
0xf4: {  	v3 =	vadd.s32 v1, v3;
	_ =	sdelay $0x1  }
0xf5: {  	s18 =	simm.s32 $0x13800  }
0xf6: {  	[tilespmem:s18], [sflag:$0x5] =	stream.indirect_vreg.gather [hbm4b:s1+s3], $0x80, v4, vm0, $0xb8;
	[tilespmem:$0x1C800] =	vst v63  }
0xf7: {  	s17 =	simm.s32 $0x14000  }
0xf8: {  	[tilespmem:s17], [sflag:$0x5] =	stream.indirect_vreg.gather [hbm4b:s1+s3], $0x80, v3, vm0, $0xb8;
	[tilespmem:$0x1C800] =	vst v63  }
0xf9: {  	v3 =	vld [tilespmem:$0x280];
	_ =	sdelay $0x4  }
0xfa: {  	v20 =	vshll.u32 v3, $0x1  }
0xfb: {  	v3 =	vand.u32 $0x7, v3;
	v4 =	vand.u32 $0xFFFFFFF0, v20  }
0xfc: {  	v3 =	vor.u32 v3, v4  }
0xfd: {  	v4 =	vperm.xlane v3, v0;
	_ =	sdelay $0x1  }
0xfe: {  	v3 =	vperm.xlane v3, v2;
	v4 =	vadd.s32 v1, v4;
	_ =	sdelay $0x1  }
0xff: {  	v3 =	vadd.s32 v1, v3;
	_ =	sdelay $0x2  }
0x100: {  	[tilespmem:s14], [sflag:$0x6] =	stream.indirect_vreg.gather [hbm4b:s1+s3], $0x80, v4, vm0, $0xb8;
	[tilespmem:$0x1C800] =	vst v63  }
0x101: {  	s18 =	simm.s32 $0x15000  }
0x102: {  	[tilespmem:s18], [sflag:$0x6] =	stream.indirect_vreg.gather [hbm4b:s1+s3], $0x80, v3, vm0, $0xb8;
	[tilespmem:$0x1C800] =	vst v63  }
0x103: {  	v3 =	vld [tilespmem:$0x290];
	_ =	sdelay $0x4  }
0x104: {  	v21 =	vshll.u32 v3, $0x1  }
0x105: {  	v3 =	vand.u32 $0x7, v3;
	v4 =	vand.u32 $0xFFFFFFF0, v21  }
0x106: {  	v3 =	vor.u32 v3, v4  }
0x107: {  	v4 =	vperm.xlane v3, v0;
	_ =	sdelay $0x1  }
0x108: {  	v3 =	vperm.xlane v3, v2;
	v4 =	vadd.s32 v1, v4;
	_ =	sdelay $0x1  }
0x109: {  	v3 =	vadd.s32 v1, v3;
	_ =	sdelay $0x1  }
0x10a: {  	s17 =	simm.s32 $0x15800  }
0x10b: {  	[tilespmem:s17], [sflag:$0x6] =	stream.indirect_vreg.gather [hbm4b:s1+s3], $0x80, v4, vm0, $0xb8;
	[tilespmem:$0x1C800] =	vst v63  }
0x10c: {  	s18 =	simm.s32 $0x16000  }
0x10d: {  	[tilespmem:s18], [sflag:$0x6] =	stream.indirect_vreg.gather [hbm4b:s1+s3], $0x80, v3, vm0, $0xb8;
	[tilespmem:$0x1C800] =	vst v63  }
0x10e: {  	v3 =	vld [tilespmem:$0x2A0];
	_ =	sdelay $0x4  }
0x10f: {  	v22 =	vshll.u32 v3, $0x1  }
0x110: {  	v3 =	vand.u32 $0x7, v3;
	v4 =	vand.u32 $0xFFFFFFF0, v22  }
0x111: {  	v3 =	vor.u32 v3, v4  }
0x112: {  	v4 =	vperm.xlane v3, v0;
	_ =	sdelay $0x1  }
0x113: {  	v3 =	vperm.xlane v3, v2;
	v4 =	vadd.s32 v1, v4;
	_ =	sdelay $0x1  }
0x114: {  	v3 =	vadd.s32 v1, v3;
	_ =	sdelay $0x1  }
0x115: {  	s17 =	simm.s32 $0x16800  }
0x116: {  	[tilespmem:s17], [sflag:$0x6] =	stream.indirect_vreg.gather [hbm4b:s1+s3], $0x80, v4, vm0, $0xb8;
	[tilespmem:$0x1C800] =	vst v63  }
0x117: {  	s18 =	simm.s32 $0x17000  }
0x118: {  	[tilespmem:s18], [sflag:$0x6] =	stream.indirect_vreg.gather [hbm4b:s1+s3], $0x80, v3, vm0, $0xb8;
	[tilespmem:$0x1C800] =	vst v63  }
0x119: {  	v3 =	vld [tilespmem:$0x2B0];
	_ =	sdelay $0x4  }
0x11a: {  	v23 =	vshll.u32 v3, $0x1  }
0x11b: {  	v3 =	vand.u32 $0x7, v3;
	v4 =	vand.u32 $0xFFFFFFF0, v23  }
0x11c: {  	v3 =	vor.u32 v3, v4  }
0x11d: {  	v4 =	vperm.xlane v3, v0;
	_ =	sdelay $0x1  }
0x11e: {  	v3 =	vperm.xlane v3, v2;
	v4 =	vadd.s32 v1, v4;
	_ =	sdelay $0x1  }
0x11f: {  	v3 =	vadd.s32 v1, v3;
	_ =	sdelay $0x1  }
0x120: {  	s17 =	simm.s32 $0x17800  }
0x121: {  	[tilespmem:s17], [sflag:$0x6] =	stream.indirect_vreg.gather [hbm4b:s1+s3], $0x80, v4, vm0, $0xb8;
	[tilespmem:$0x1C800] =	vst v63  }
0x122: {  	s18 =	simm.s32 $0x18000  }
0x123: {  	[tilespmem:s18], [sflag:$0x6] =	stream.indirect_vreg.gather [hbm4b:s1+s3], $0x80, v3, vm0, $0xb8;
	[tilespmem:$0x1C800] =	vst v63  }
0x124: {  	v3 =	vld [tilespmem:$0x300];
	_ =	sdelay $0x4  }
0x125: {  	v24 =	vshll.u32 v3, $0x1  }
0x126: {  	v3 =	vand.u32 $0x7, v3;
	v4 =	vand.u32 $0xFFFFFFF0, v24  }
0x127: {  	v3 =	vor.u32 v3, v4  }
0x128: {  	v4 =	vperm.xlane v3, v0;
	_ =	sdelay $0x1  }
0x129: {  	v3 =	vperm.xlane v3, v2;
	v4 =	vadd.s32 v1, v4;
	_ =	sdelay $0x1  }
0x12a: {  	v3 =	vadd.s32 v1, v3;
	_ =	sdelay $0x2  }
0x12b: {  	[tilespmem:s2], [sflag:$0x7] =	stream.indirect_vreg.gather [hbm4b:s1+s3], $0x80, v4, vm0, $0xb8;
	[tilespmem:$0x1C800] =	vst v63  }
0x12c: {  	s17 =	simm.s32 $0x19000  }
0x12d: {  	[tilespmem:s17], [sflag:$0x7] =	stream.indirect_vreg.gather [hbm4b:s1+s3], $0x80, v3, vm0, $0xb8;
	[tilespmem:$0x1C800] =	vst v63  }
0x12e: {  	v3 =	vld [tilespmem:$0x310];
	_ =	sdelay $0x4  }
0x12f: {  	v25 =	vshll.u32 v3, $0x1  }
0x130: {  	v3 =	vand.u32 $0x7, v3;
	v4 =	vand.u32 $0xFFFFFFF0, v25  }
0x131: {  	v3 =	vor.u32 v3, v4  }
0x132: {  	v4 =	vperm.xlane v3, v0;
	_ =	sdelay $0x1  }
0x133: {  	v3 =	vperm.xlane v3, v2;
	v4 =	vadd.s32 v1, v4;
	_ =	sdelay $0x1  }
0x134: {  	v3 =	vadd.s32 v1, v3;
	_ =	sdelay $0x1  }
0x135: {  	s18 =	simm.s32 $0x19800  }
0x136: {  	[tilespmem:s18], [sflag:$0x7] =	stream.indirect_vreg.gather [hbm4b:s1+s3], $0x80, v4, vm0, $0xb8;
	[tilespmem:$0x1C800] =	vst v63  }
0x137: {  	s17 =	simm.s32 $0x1A000  }
0x138: {  	[tilespmem:s17], [sflag:$0x7] =	stream.indirect_vreg.gather [hbm4b:s1+s3], $0x80, v3, vm0, $0xb8;
	[tilespmem:$0x1C800] =	vst v63  }
0x139: {  	v3 =	vld [tilespmem:$0x320];
	_ =	sdelay $0x4  }
0x13a: {  	v26 =	vshll.u32 v3, $0x1  }
0x13b: {  	v3 =	vand.u32 $0x7, v3;
	v4 =	vand.u32 $0xFFFFFFF0, v26  }
0x13c: {  	v3 =	vor.u32 v3, v4  }
0x13d: {  	v4 =	vperm.xlane v3, v0;
	_ =	sdelay $0x1  }
0x13e: {  	v3 =	vperm.xlane v3, v2;
	v4 =	vadd.s32 v1, v4;
	_ =	sdelay $0x1  }
0x13f: {  	v3 =	vadd.s32 v1, v3;
	_ =	sdelay $0x1  }
0x140: {  	s18 =	simm.s32 $0x1A800  }
0x141: {  	[tilespmem:s18], [sflag:$0x7] =	stream.indirect_vreg.gather [hbm4b:s1+s3], $0x80, v4, vm0, $0xb8;
	[tilespmem:$0x1C800] =	vst v63  }
0x142: {  	s17 =	simm.s32 $0x1B000  }
0x143: {  	[tilespmem:s17], [sflag:$0x7] =	stream.indirect_vreg.gather [hbm4b:s1+s3], $0x80, v3, vm0, $0xb8;
	[tilespmem:$0x1C800] =	vst v63  }
0x144: {  	v3 =	vld [tilespmem:$0x330];
	_ =	sdelay $0x4  }
0x145: {  	v27 =	vshll.u32 v3, $0x1  }
0x146: {  	v3 =	vand.u32 $0x7, v3;
	v4 =	vand.u32 $0xFFFFFFF0, v27  }
0x147: {  	v3 =	vor.u32 v3, v4  }
0x148: {  	v4 =	vperm.xlane v3, v0;
	_ =	sdelay $0x1  }
0x149: {  	v3 =	vperm.xlane v3, v2;
	v4 =	vadd.s32 v1, v4;
	_ =	sdelay $0x1  }
0x14a: {  	v3 =	vadd.s32 v1, v3;
	_ =	sdelay $0x1  }
0x14b: {  	s18 =	simm.s32 $0x1B800  }
0x14c: {  	[tilespmem:s18], [sflag:$0x7] =	stream.indirect_vreg.gather [hbm4b:s1+s3], $0x80, v4, vm0, $0xb8;
	[tilespmem:$0x1C800] =	vst v63  }
0x14d: {  	s0 =	simm.s32 $0x1C000;
	s17 =	rddreg [dreg:$0x5]  }
0x14e: {  	[tilespmem:s0], [sflag:$0x7] =	stream.indirect_vreg.gather [hbm4b:s1+s3], $0x80, v3, vm0, $0xb8;
	[tilespmem:$0x1C800] =	vst v63  }
0x14f: {  	s18 =	rddreg [dreg:$0x15]  }
0x150: {  	[tilespmem:s18], [sflag:$0xF] =	stream.linear.gather [hbm4b:s17+s3], $0x400, $0x38;
	[tilespmem:$0x1C800] =	vst v63  }
0x151: {  	_ =	swait.ge [sflag:s7], $0x400  }
0x152: {  	[sflag:s7] =	ssyncset.done $0x0  }
0x153: {  	[sflag:s7] =	ssyncadd.s32 $0xFFFFFC00  }
0x154: {  	_ =	swait.ge [sflag:s29], $0x4000  }
0x155: {  	[sflag:s29] =	ssyncset.done $0x0  }
0x156: {  	s7 =	rddreg [dreg:$0x16];
	[sflag:s29] =	ssyncadd.s32 $0xFFFFC000  }
0x157: {  	[hbm4b:s7+s3] =	stream.linear.scatter [tilespmem:s15], [sflag:$0x8], $0x4000, $0x38;
	[tilespmem:$0x1C800] =	vst v63  }
0x158: {  	_ =	swait.ge [sflag:s30], $0x4000  }
0x159: {  	[sflag:s30] =	ssyncset.done $0x0  }
0x15a: {  	[sflag:s30] =	ssyncadd.s32 $0xFFFFC000  }
0x15b: {  	v3 =	vld [tilespmem:$0x380];
	_ =	sdelay $0x4  }
0x15c: {  	v28 =	vshll.u32 v3, $0x1  }
0x15d: {  	v3 =	vand.u32 $0x7, v3;
	v4 =	vand.u32 $0xFFFFFFF0, v28  }
0x15e: {  	v3 =	vor.u32 v3, v4  }
0x15f: {  	v4 =	vperm.xlane v3, v0;
	_ =	sdelay $0x1  }
0x160: {  	v3 =	vperm.xlane v3, v2;
	v4 =	vadd.s32 v1, v4;
	_ =	sdelay $0x1  }
0x161: {  	v3 =	vadd.s32 v1, v3;
	_ =	sdelay $0x2  }
0x162: {  	[tilespmem:s15], [sflag:$0x1] =	stream.indirect_vreg.gather [hbm4b:s1+s3], $0x80, v4, vm0, $0xb8;
	[tilespmem:$0x1C800] =	vst v63  }
0x163: {  	s18 =	simm.s32 $0x1000  }
0x164: {  	[tilespmem:s18], [sflag:$0x1] =	stream.indirect_vreg.gather [hbm4b:s1+s3], $0x80, v3, vm0, $0xb8;
	[tilespmem:$0x1C800] =	vst v63  }
0x165: {  	v3 =	vld [tilespmem:$0x390];
	_ =	sdelay $0x4  }
0x166: {  	v29 =	vshll.u32 v3, $0x1  }
0x167: {  	v3 =	vand.u32 $0x7, v3;
	v4 =	vand.u32 $0xFFFFFFF0, v29  }
0x168: {  	v3 =	vor.u32 v3, v4  }
0x169: {  	v4 =	vperm.xlane v3, v0;
	_ =	sdelay $0x1  }
0x16a: {  	v3 =	vperm.xlane v3, v2;
	v4 =	vadd.s32 v1, v4;
	_ =	sdelay $0x1  }
0x16b: {  	v3 =	vadd.s32 v1, v3;
	_ =	sdelay $0x1  }
0x16c: {  	s7 =	simm.s32 $0x1800  }
0x16d: {  	[tilespmem:s7], [sflag:$0x1] =	stream.indirect_vreg.gather [hbm4b:s1+s3], $0x80, v4, vm0, $0xb8;
	[tilespmem:$0x1C800] =	vst v63  }
0x16e: {  	s17 =	simm.s32 $0x2000  }
0x16f: {  	[tilespmem:s17], [sflag:$0x1] =	stream.indirect_vreg.gather [hbm4b:s1+s3], $0x80, v3, vm0, $0xb8;
	[tilespmem:$0x1C800] =	vst v63  }
0x170: {  	v3 =	vld [tilespmem:$0x3A0];
	_ =	sdelay $0x4  }
0x171: {  	v30 =	vshll.u32 v3, $0x1  }
0x172: {  	v3 =	vand.u32 $0x7, v3;
	v4 =	vand.u32 $0xFFFFFFF0, v30  }
0x173: {  	v3 =	vor.u32 v3, v4  }
0x174: {  	v4 =	vperm.xlane v3, v0;
	_ =	sdelay $0x1  }
0x175: {  	v3 =	vperm.xlane v3, v2;
	v4 =	vadd.s32 v1, v4;
	_ =	sdelay $0x1  }
0x176: {  	v3 =	vadd.s32 v1, v3;
	_ =	sdelay $0x1  }
0x177: {  	s18 =	simm.s32 $0x2800  }
0x178: {  	[tilespmem:s18], [sflag:$0x1] =	stream.indirect_vreg.gather [hbm4b:s1+s3], $0x80, v4, vm0, $0xb8;
	[tilespmem:$0x1C800] =	vst v63  }
0x179: {  	s7 =	simm.s32 $0x3000  }
0x17a: {  	[tilespmem:s7], [sflag:$0x1] =	stream.indirect_vreg.gather [hbm4b:s1+s3], $0x80, v3, vm0, $0xb8;
	[tilespmem:$0x1C800] =	vst v63  }
0x17b: {  	v3 =	vld [tilespmem:$0x3B0];
	_ =	sdelay $0x4  }
0x17c: {  	v31 =	vshll.u32 v3, $0x1  }
0x17d: {  	v3 =	vand.u32 $0x7, v3;
	v4 =	vand.u32 $0xFFFFFFF0, v31  }
0x17e: {  	v3 =	vor.u32 v3, v4  }
0x17f: {  	v4 =	vperm.xlane v3, v0;
	_ =	sdelay $0x1  }
0x180: {  	v3 =	vperm.xlane v3, v2;
	v4 =	vadd.s32 v1, v4;
	_ =	sdelay $0x1  }
0x181: {  	v3 =	vadd.s32 v1, v3;
	_ =	sdelay $0x1  }
0x182: {  	s17 =	simm.s32 $0x3800  }
0x183: {  	[tilespmem:s17], [sflag:$0x1] =	stream.indirect_vreg.gather [hbm4b:s1+s3], $0x80, v4, vm0, $0xb8;
	[tilespmem:$0x1C800] =	vst v63  }
0x184: {  	s18 =	simm.s32 $0x4000  }
0x185: {  	[tilespmem:s18], [sflag:$0x1] =	stream.indirect_vreg.gather [hbm4b:s1+s3], $0x80, v3, vm0, $0xb8;
	[tilespmem:$0x1C800] =	vst v63  }
0x186: {  	_ =	swait.ge [sflag:s24], $0x4000  }
0x187: {  	[sflag:s24] =	ssyncset.done $0x0  }
0x188: {  	s7 =	rddreg [dreg:$0x6];
	[sflag:s24] =	ssyncadd.s32 $0xFFFFC000  }
0x189: {  	[hbm4b:s7+s3] =	stream.linear.scatter [tilespmem:s28], [sflag:$0x9], $0x4000, $0x38;
	[tilespmem:$0x1C800] =	vst v63  }
0x18a: {  	_ =	swait.ge [sflag:s26], $0x4000  }
0x18b: {  	[sflag:s26] =	ssyncset.done $0x0  }
0x18c: {  	[sflag:s26] =	ssyncadd.s32 $0xFFFFC000  }
0x18d: {  	v3 =	vld [tilespmem:$0x400];
	_ =	sdelay $0x4  }
0x18e: {  	v32 =	vshll.u32 v3, $0x1  }
0x18f: {  	v3 =	vand.u32 $0x7, v3;
	v4 =	vand.u32 $0xFFFFFFF0, v32  }
0x190: {  	v3 =	vor.u32 v3, v4  }
0x191: {  	v4 =	vperm.xlane v3, v0;
	_ =	sdelay $0x1  }
0x192: {  	v3 =	vperm.xlane v3, v2;
	v4 =	vadd.s32 v1, v4;
	_ =	sdelay $0x1  }
0x193: {  	v3 =	vadd.s32 v1, v3;
	_ =	sdelay $0x2  }
0x194: {  	[tilespmem:s28], [sflag:$0x2] =	stream.indirect_vreg.gather [hbm4b:s1+s3], $0x80, v4, vm0, $0xb8;
	[tilespmem:$0x1C800] =	vst v63  }
0x195: {  	s17 =	simm.s32 $0x5000  }
0x196: {  	[tilespmem:s17], [sflag:$0x2] =	stream.indirect_vreg.gather [hbm4b:s1+s3], $0x80, v3, vm0, $0xb8;
	[tilespmem:$0x1C800] =	vst v63  }
0x197: {  	v3 =	vld [tilespmem:$0x410];
	_ =	sdelay $0x4  }
0x198: {  	v33 =	vshll.u32 v3, $0x1  }
0x199: {  	v3 =	vand.u32 $0x7, v3;
	v4 =	vand.u32 $0xFFFFFFF0, v33  }
0x19a: {  	v3 =	vor.u32 v3, v4  }
0x19b: {  	v4 =	vperm.xlane v3, v0;
	_ =	sdelay $0x1  }
0x19c: {  	v3 =	vperm.xlane v3, v2;
	v4 =	vadd.s32 v1, v4;
	_ =	sdelay $0x1  }
0x19d: {  	v3 =	vadd.s32 v1, v3;
	_ =	sdelay $0x1  }
0x19e: {  	s18 =	simm.s32 $0x5800  }
0x19f: {  	[tilespmem:s18], [sflag:$0x2] =	stream.indirect_vreg.gather [hbm4b:s1+s3], $0x80, v4, vm0, $0xb8;
	[tilespmem:$0x1C800] =	vst v63  }
0x1a0: {  	s0 =	simm.s32 $0x6000  }
0x1a1: {  	[tilespmem:s0], [sflag:$0x2] =	stream.indirect_vreg.gather [hbm4b:s1+s3], $0x80, v3, vm0, $0xb8;
	[tilespmem:$0x1C800] =	vst v63  }
0x1a2: {  	v3 =	vld [tilespmem:$0x420];
	_ =	sdelay $0x4  }
0x1a3: {  	v34 =	vshll.u32 v3, $0x1  }
0x1a4: {  	v3 =	vand.u32 $0x7, v3;
	v4 =	vand.u32 $0xFFFFFFF0, v34  }
0x1a5: {  	v3 =	vor.u32 v3, v4  }
0x1a6: {  	v4 =	vperm.xlane v3, v0;
	_ =	sdelay $0x1  }
0x1a7: {  	v3 =	vperm.xlane v3, v2;
	v4 =	vadd.s32 v1, v4;
	_ =	sdelay $0x1  }
0x1a8: {  	v3 =	vadd.s32 v1, v3;
	_ =	sdelay $0x1  }
0x1a9: {  	s17 =	simm.s32 $0x6800  }
0x1aa: {  	[tilespmem:s17], [sflag:$0x2] =	stream.indirect_vreg.gather [hbm4b:s1+s3], $0x80, v4, vm0, $0xb8;
	[tilespmem:$0x1C800] =	vst v63  }
0x1ab: {  	s18 =	simm.s32 $0x7000  }
0x1ac: {  	[tilespmem:s18], [sflag:$0x2] =	stream.indirect_vreg.gather [hbm4b:s1+s3], $0x80, v3, vm0, $0xb8;
	[tilespmem:$0x1C800] =	vst v63  }
0x1ad: {  	v3 =	vld [tilespmem:$0x430];
	_ =	sdelay $0x4  }
0x1ae: {  	v35 =	vshll.u32 v3, $0x1  }
0x1af: {  	v3 =	vand.u32 $0x7, v3;
	v4 =	vand.u32 $0xFFFFFFF0, v35  }
0x1b0: {  	v3 =	vor.u32 v3, v4  }
0x1b1: {  	v4 =	vperm.xlane v3, v0;
	_ =	sdelay $0x1  }
0x1b2: {  	v3 =	vperm.xlane v3, v2;
	v4 =	vadd.s32 v1, v4;
	_ =	sdelay $0x1  }
0x1b3: {  	v3 =	vadd.s32 v1, v3;
	_ =	sdelay $0x1  }
0x1b4: {  	s0 =	simm.s32 $0x7800  }
0x1b5: {  	[tilespmem:s0], [sflag:$0x2] =	stream.indirect_vreg.gather [hbm4b:s1+s3], $0x80, v4, vm0, $0xb8;
	[tilespmem:$0x1C800] =	vst v63  }
0x1b6: {  	s7 =	simm.s32 $0x3;
	s17 =	simm.s32 $0x8000  }
0x1b7: {  	[tilespmem:s17], [sflag:$0x2] =	stream.indirect_vreg.gather [hbm4b:s1+s3], $0x80, v3, vm0, $0xb8;
	[tilespmem:$0x1C800] =	vst v63  }
0x1b8: {  	_ =	swait.ge [sflag:s7], $0x4000  }
0x1b9: {  	[sflag:s7] =	ssyncset.done $0x0  }
0x1ba: {  	s0 =	simm.s32 $0x8800;
	s18 =	rddreg [dreg:$0x7];
	[sflag:s7] =	ssyncadd.s32 $0xFFFFC000  }
0x1bb: {  	[hbm4b:s18+s3] =	stream.linear.scatter [tilespmem:s0], [sflag:$0xA], $0x4000, $0x38;
	[tilespmem:$0x1C800] =	vst v63  }
0x1bc: {  	s18 =	simm.s32 $0xA  }
0x1bd: {  	_ =	swait.ge [sflag:s18], $0x4000  }
0x1be: {  	[sflag:s18] =	ssyncset.done $0x0  }
0x1bf: {  	[sflag:s18] =	ssyncadd.s32 $0xFFFFC000  }
0x1c0: {  	v3 =	vld [tilespmem:$0x480];
	_ =	sdelay $0x4  }
0x1c1: {  	v36 =	vshll.u32 v3, $0x1  }
0x1c2: {  	v3 =	vand.u32 $0x7, v3;
	v4 =	vand.u32 $0xFFFFFFF0, v36  }
0x1c3: {  	v3 =	vor.u32 v3, v4  }
0x1c4: {  	v4 =	vperm.xlane v3, v0;
	_ =	sdelay $0x1  }
0x1c5: {  	v3 =	vperm.xlane v3, v2;
	v4 =	vadd.s32 v1, v4;
	_ =	sdelay $0x1  }
0x1c6: {  	v3 =	vadd.s32 v1, v3;
	_ =	sdelay $0x2  }
0x1c7: {  	[tilespmem:s0], [sflag:$0x3] =	stream.indirect_vreg.gather [hbm4b:s1+s3], $0x80, v4, vm0, $0xb8;
	[tilespmem:$0x1C800] =	vst v63  }
0x1c8: {  	_ = 	snop  }
0x1c9: {  	[tilespmem:s6], [sflag:$0x3] =	stream.indirect_vreg.gather [hbm4b:s1+s3], $0x80, v3, vm0, $0xb8;
	[tilespmem:$0x1C800] =	vst v63  }
0x1ca: {  	v3 =	vld [tilespmem:$0x490];
	_ =	sdelay $0x4  }
0x1cb: {  	v37 =	vshll.u32 v3, $0x1  }
0x1cc: {  	v3 =	vand.u32 $0x7, v3;
	v4 =	vand.u32 $0xFFFFFFF0, v37  }
0x1cd: {  	v3 =	vor.u32 v3, v4  }
0x1ce: {  	v4 =	vperm.xlane v3, v0;
	_ =	sdelay $0x1  }
0x1cf: {  	v3 =	vperm.xlane v3, v2;
	v4 =	vadd.s32 v1, v4;
	_ =	sdelay $0x1  }
0x1d0: {  	v3 =	vadd.s32 v1, v3;
	_ =	sdelay $0x2  }
0x1d1: {  	[tilespmem:s25], [sflag:$0x3] =	stream.indirect_vreg.gather [hbm4b:s1+s3], $0x80, v4, vm0, $0xb8;
	[tilespmem:$0x1C800] =	vst v63  }
0x1d2: {  	_ = 	snop  }
0x1d3: {  	[tilespmem:s4], [sflag:$0x3] =	stream.indirect_vreg.gather [hbm4b:s1+s3], $0x80, v3, vm0, $0xb8;
	[tilespmem:$0x1C800] =	vst v63  }
0x1d4: {  	v3 =	vld [tilespmem:$0x4A0];
	_ =	sdelay $0x4  }
0x1d5: {  	v38 =	vshll.u32 v3, $0x1  }
0x1d6: {  	v3 =	vand.u32 $0x7, v3;
	v4 =	vand.u32 $0xFFFFFFF0, v38  }
0x1d7: {  	v3 =	vor.u32 v3, v4  }
0x1d8: {  	v4 =	vperm.xlane v3, v0;
	_ =	sdelay $0x1  }
0x1d9: {  	v3 =	vperm.xlane v3, v2;
	v4 =	vadd.s32 v1, v4;
	_ =	sdelay $0x1  }
0x1da: {  	v3 =	vadd.s32 v1, v3;
	_ =	sdelay $0x2  }
0x1db: {  	[tilespmem:s19], [sflag:$0x3] =	stream.indirect_vreg.gather [hbm4b:s1+s3], $0x80, v4, vm0, $0xb8;
	[tilespmem:$0x1C800] =	vst v63  }
0x1dc: {  	_ = 	snop  }
0x1dd: {  	[tilespmem:s20], [sflag:$0x3] =	stream.indirect_vreg.gather [hbm4b:s1+s3], $0x80, v3, vm0, $0xb8;
	[tilespmem:$0x1C800] =	vst v63  }
0x1de: {  	v3 =	vld [tilespmem:$0x4B0];
	_ =	sdelay $0x4  }
0x1df: {  	v39 =	vshll.u32 v3, $0x1  }
0x1e0: {  	v3 =	vand.u32 $0x7, v3;
	v4 =	vand.u32 $0xFFFFFFF0, v39  }
0x1e1: {  	v3 =	vor.u32 v3, v4  }
0x1e2: {  	v4 =	vperm.xlane v3, v0;
	_ =	sdelay $0x1  }
0x1e3: {  	v3 =	vperm.xlane v3, v2;
	v4 =	vadd.s32 v1, v4;
	_ =	sdelay $0x1  }
0x1e4: {  	v3 =	vadd.s32 v1, v3;
	_ =	sdelay $0x2  }
0x1e5: {  	[tilespmem:s21], [sflag:$0x3] =	stream.indirect_vreg.gather [hbm4b:s1+s3], $0x80, v4, vm0, $0xb8;
	[tilespmem:$0x1C800] =	vst v63  }
0x1e6: {  	s4 =	simm.s32 $0x4  }
0x1e7: {  	[tilespmem:s22], [sflag:$0x3] =	stream.indirect_vreg.gather [hbm4b:s1+s3], $0x80, v3, vm0, $0xb8;
	[tilespmem:$0x1C800] =	vst v63  }
0x1e8: {  	_ =	swait.ge [sflag:s4], $0x4000  }
0x1e9: {  	[sflag:s4] =	ssyncset.done $0x0  }
0x1ea: {  	s19 =	simm.s32 $0xC800;
	s6 =	rddreg [dreg:$0x8];
	[sflag:s4] =	ssyncadd.s32 $0xFFFFC000  }
0x1eb: {  	[hbm4b:s6+s3] =	stream.linear.scatter [tilespmem:s19], [sflag:$0xB], $0x4000, $0x38;
	[tilespmem:$0x1C800] =	vst v63  }
0x1ec: {  	s6 =	simm.s32 $0xB  }
0x1ed: {  	_ =	swait.ge [sflag:s6], $0x4000  }
0x1ee: {  	[sflag:s6] =	ssyncset.done $0x0  }
0x1ef: {  	[sflag:s6] =	ssyncadd.s32 $0xFFFFC000  }
0x1f0: {  	v3 =	vld [tilespmem:$0x500];
	_ =	sdelay $0x4  }
0x1f1: {  	v40 =	vshll.u32 v3, $0x1  }
0x1f2: {  	v3 =	vand.u32 $0x7, v3;
	v4 =	vand.u32 $0xFFFFFFF0, v40  }
0x1f3: {  	v3 =	vor.u32 v3, v4  }
0x1f4: {  	v4 =	vperm.xlane v3, v0;
	_ =	sdelay $0x1  }
0x1f5: {  	v3 =	vperm.xlane v3, v2;
	v4 =	vadd.s32 v1, v4;
	_ =	sdelay $0x1  }
0x1f6: {  	v3 =	vadd.s32 v1, v3;
	_ =	sdelay $0x2  }
0x1f7: {  	[tilespmem:s19], [sflag:$0x4] =	stream.indirect_vreg.gather [hbm4b:s1+s3], $0x80, v4, vm0, $0xb8;
	[tilespmem:$0x1C800] =	vst v63  }
0x1f8: {  	_ = 	snop  }
0x1f9: {  	[tilespmem:s31], [sflag:$0x4] =	stream.indirect_vreg.gather [hbm4b:s1+s3], $0x80, v3, vm0, $0xb8;
	[tilespmem:$0x1C800] =	vst v63  }
0x1fa: {  	v3 =	vld [tilespmem:$0x510];
	_ =	sdelay $0x4  }
0x1fb: {  	v41 =	vshll.u32 v3, $0x1  }
0x1fc: {  	v3 =	vand.u32 $0x7, v3;
	v4 =	vand.u32 $0xFFFFFFF0, v41  }
0x1fd: {  	v3 =	vor.u32 v3, v4  }
0x1fe: {  	v4 =	vperm.xlane v3, v0;
	_ =	sdelay $0x1  }
0x1ff: {  	v3 =	vperm.xlane v3, v2;
	v4 =	vadd.s32 v1, v4;
	_ =	sdelay $0x1  }
0x200: {  	v3 =	vadd.s32 v1, v3;
	_ =	sdelay $0x2  }
0x201: {  	[tilespmem:s13], [sflag:$0x4] =	stream.indirect_vreg.gather [hbm4b:s1+s3], $0x80, v4, vm0, $0xb8;
	[tilespmem:$0x1C800] =	vst v63  }
0x202: {  	_ = 	snop  }
0x203: {  	[tilespmem:s8], [sflag:$0x4] =	stream.indirect_vreg.gather [hbm4b:s1+s3], $0x80, v3, vm0, $0xb8;
	[tilespmem:$0x1C800] =	vst v63  }
0x204: {  	v3 =	vld [tilespmem:$0x520];
	_ =	sdelay $0x4  }
0x205: {  	v42 =	vshll.u32 v3, $0x1  }
0x206: {  	v3 =	vand.u32 $0x7, v3;
	v4 =	vand.u32 $0xFFFFFFF0, v42  }
0x207: {  	v3 =	vor.u32 v3, v4  }
0x208: {  	v4 =	vperm.xlane v3, v0;
	_ =	sdelay $0x1  }
0x209: {  	v3 =	vperm.xlane v3, v2;
	v4 =	vadd.s32 v1, v4;
	_ =	sdelay $0x1  }
0x20a: {  	v3 =	vadd.s32 v1, v3;
	_ =	sdelay $0x2  }
0x20b: {  	[tilespmem:s9], [sflag:$0x4] =	stream.indirect_vreg.gather [hbm4b:s1+s3], $0x80, v4, vm0, $0xb8;
	[tilespmem:$0x1C800] =	vst v63  }
0x20c: {  	_ = 	snop  }
0x20d: {  	[tilespmem:s10], [sflag:$0x4] =	stream.indirect_vreg.gather [hbm4b:s1+s3], $0x80, v3, vm0, $0xb8;
	[tilespmem:$0x1C800] =	vst v63  }
0x20e: {  	v3 =	vld [tilespmem:$0x530];
	_ =	sdelay $0x4  }
0x20f: {  	v43 =	vshll.u32 v3, $0x1  }
0x210: {  	v3 =	vand.u32 $0x7, v3;
	v4 =	vand.u32 $0xFFFFFFF0, v43  }
0x211: {  	v3 =	vor.u32 v3, v4  }
0x212: {  	v4 =	vperm.xlane v3, v0;
	_ =	sdelay $0x1  }
0x213: {  	v3 =	vperm.xlane v3, v2;
	v4 =	vadd.s32 v1, v4;
	_ =	sdelay $0x1  }
0x214: {  	v3 =	vadd.s32 v1, v3;
	_ =	sdelay $0x2  }
0x215: {  	[tilespmem:s11], [sflag:$0x4] =	stream.indirect_vreg.gather [hbm4b:s1+s3], $0x80, v4, vm0, $0xb8;
	[tilespmem:$0x1C800] =	vst v63  }
0x216: {  	s8 =	simm.s32 $0x5  }
0x217: {  	[tilespmem:s12], [sflag:$0x4] =	stream.indirect_vreg.gather [hbm4b:s1+s3], $0x80, v3, vm0, $0xb8;
	[tilespmem:$0x1C800] =	vst v63  }
0x218: {  	_ =	swait.ge [sflag:s8], $0x4000  }
0x219: {  	s9 =	simm.s32 $0xC;
	[sflag:s8] =	ssyncset.done $0x0  }
0x21a: {  	s11 =	simm.s32 $0x10800;
	s10 =	rddreg [dreg:$0x9];
	[sflag:s8] =	ssyncadd.s32 $0xFFFFC000  }
0x21b: {  	[hbm4b:s10+s3] =	stream.linear.scatter [tilespmem:s11], [sflag:$0xC], $0x4000, $0x38;
	[tilespmem:$0x1C800] =	vst v63  }
0x21c: {  	_ =	swait.ge [sflag:s9], $0x4000  }
0x21d: {  	[sflag:s9] =	ssyncset.done $0x0  }
0x21e: {  	[sflag:s9] =	ssyncadd.s32 $0xFFFFC000  }
0x21f: {  	v3 =	vld [tilespmem:$0x580];
	_ =	sdelay $0x4  }
0x220: {  	v44 =	vshll.u32 v3, $0x1  }
0x221: {  	v3 =	vand.u32 $0x7, v3;
	v4 =	vand.u32 $0xFFFFFFF0, v44  }
0x222: {  	v3 =	vor.u32 v3, v4  }
0x223: {  	v4 =	vperm.xlane v3, v0;
	_ =	sdelay $0x1  }
0x224: {  	v3 =	vperm.xlane v3, v2;
	v4 =	vadd.s32 v1, v4;
	_ =	sdelay $0x1  }
0x225: {  	v3 =	vadd.s32 v1, v3;
	_ =	sdelay $0x2  }
0x226: {  	[tilespmem:s11], [sflag:$0x5] =	stream.indirect_vreg.gather [hbm4b:s1+s3], $0x80, v4, vm0, $0xb8;
	[tilespmem:$0x1C800] =	vst v63  }
0x227: {  	s12 =	simm.s32 $0x11000  }
0x228: {  	[tilespmem:s12], [sflag:$0x5] =	stream.indirect_vreg.gather [hbm4b:s1+s3], $0x80, v3, vm0, $0xb8;
	[tilespmem:$0x1C800] =	vst v63  }
0x229: {  	v3 =	vld [tilespmem:$0x590];
	_ =	sdelay $0x4  }
0x22a: {  	v45 =	vshll.u32 v3, $0x1  }
0x22b: {  	v3 =	vand.u32 $0x7, v3;
	v4 =	vand.u32 $0xFFFFFFF0, v45  }
0x22c: {  	v3 =	vor.u32 v3, v4  }
0x22d: {  	v4 =	vperm.xlane v3, v0;
	_ =	sdelay $0x1  }
0x22e: {  	v3 =	vperm.xlane v3, v2;
	v4 =	vadd.s32 v1, v4;
	_ =	sdelay $0x1  }
0x22f: {  	v3 =	vadd.s32 v1, v3;
	_ =	sdelay $0x2  }
0x230: {  	[tilespmem:s16], [sflag:$0x5] =	stream.indirect_vreg.gather [hbm4b:s1+s3], $0x80, v4, vm0, $0xb8;
	[tilespmem:$0x1C800] =	vst v63  }
0x231: {  	s13 =	simm.s32 $0x12000  }
0x232: {  	[tilespmem:s13], [sflag:$0x5] =	stream.indirect_vreg.gather [hbm4b:s1+s3], $0x80, v3, vm0, $0xb8;
	[tilespmem:$0x1C800] =	vst v63  }
0x233: {  	v3 =	vld [tilespmem:$0x5A0];
	_ =	sdelay $0x4  }
0x234: {  	v46 =	vshll.u32 v3, $0x1  }
0x235: {  	v3 =	vand.u32 $0x7, v3;
	v4 =	vand.u32 $0xFFFFFFF0, v46  }
0x236: {  	v3 =	vor.u32 v3, v4  }
0x237: {  	v4 =	vperm.xlane v3, v0;
	_ =	sdelay $0x1  }
0x238: {  	v3 =	vperm.xlane v3, v2;
	v4 =	vadd.s32 v1, v4;
	_ =	sdelay $0x1  }
0x239: {  	v3 =	vadd.s32 v1, v3;
	_ =	sdelay $0x1  }
0x23a: {  	s16 =	simm.s32 $0x12800  }
0x23b: {  	[tilespmem:s16], [sflag:$0x5] =	stream.indirect_vreg.gather [hbm4b:s1+s3], $0x80, v4, vm0, $0xb8;
	[tilespmem:$0x1C800] =	vst v63  }
0x23c: {  	_ = 	snop  }
0x23d: {  	[tilespmem:s23], [sflag:$0x5] =	stream.indirect_vreg.gather [hbm4b:s1+s3], $0x80, v3, vm0, $0xb8;
	[tilespmem:$0x1C800] =	vst v63  }
0x23e: {  	v3 =	vld [tilespmem:$0x5B0];
	_ =	sdelay $0x4  }
0x23f: {  	v47 =	vshll.u32 v3, $0x1  }
0x240: {  	v3 =	vand.u32 $0x7, v3;
	v4 =	vand.u32 $0xFFFFFFF0, v47  }
0x241: {  	v3 =	vor.u32 v3, v4  }
0x242: {  	v4 =	vperm.xlane v3, v0;
	_ =	sdelay $0x1  }
0x243: {  	v3 =	vperm.xlane v3, v2;
	v4 =	vadd.s32 v1, v4;
	_ =	sdelay $0x1  }
0x244: {  	v3 =	vadd.s32 v1, v3;
	_ =	sdelay $0x1  }
0x245: {  	s17 =	simm.s32 $0x13800  }
0x246: {  	[tilespmem:s17], [sflag:$0x5] =	stream.indirect_vreg.gather [hbm4b:s1+s3], $0x80, v4, vm0, $0xb8;
	[tilespmem:$0x1C800] =	vst v63  }
0x247: {  	s10 =	simm.s32 $0x6;
	s11 =	simm.s32 $0x14000  }
0x248: {  	[tilespmem:s11], [sflag:$0x5] =	stream.indirect_vreg.gather [hbm4b:s1+s3], $0x80, v3, vm0, $0xb8;
	[tilespmem:$0x1C800] =	vst v63  }
0x249: {  	_ =	swait.ge [sflag:s10], $0x4000  }
0x24a: {  	[sflag:s10] =	ssyncset.done $0x0  }
0x24b: {  	s11 =	simm.s32 $0xD;
	s12 =	rddreg [dreg:$0xa];
	[sflag:s10] =	ssyncadd.s32 $0xFFFFC000  }
0x24c: {  	[hbm4b:s12+s3] =	stream.linear.scatter [tilespmem:s14], [sflag:$0xD], $0x4000, $0x38;
	[tilespmem:$0x1C800] =	vst v63  }
0x24d: {  	_ =	swait.ge [sflag:s11], $0x4000  }
0x24e: {  	[sflag:s11] =	ssyncset.done $0x0  }
0x24f: {  	[sflag:s11] =	ssyncadd.s32 $0xFFFFC000  }
0x250: {  	v3 =	vld [tilespmem:$0x600];
	_ =	sdelay $0x4  }
0x251: {  	v48 =	vshll.u32 v3, $0x1  }
0x252: {  	v3 =	vand.u32 $0x7, v3;
	v4 =	vand.u32 $0xFFFFFFF0, v48  }
0x253: {  	v3 =	vor.u32 v3, v4  }
0x254: {  	v4 =	vperm.xlane v3, v0;
	_ =	sdelay $0x1  }
0x255: {  	v3 =	vperm.xlane v3, v2;
	v4 =	vadd.s32 v1, v4;
	_ =	sdelay $0x1  }
0x256: {  	v3 =	vadd.s32 v1, v3;
	_ =	sdelay $0x2  }
0x257: {  	[tilespmem:s14], [sflag:$0x6] =	stream.indirect_vreg.gather [hbm4b:s1+s3], $0x80, v4, vm0, $0xb8;
	[tilespmem:$0x1C800] =	vst v63  }
0x258: {  	s13 =	simm.s32 $0x15000  }
0x259: {  	[tilespmem:s13], [sflag:$0x6] =	stream.indirect_vreg.gather [hbm4b:s1+s3], $0x80, v3, vm0, $0xb8;
	[tilespmem:$0x1C800] =	vst v63  }
0x25a: {  	v3 =	vld [tilespmem:$0x610];
	_ =	sdelay $0x4  }
0x25b: {  	v49 =	vshll.u32 v3, $0x1  }
0x25c: {  	v3 =	vand.u32 $0x7, v3;
	v4 =	vand.u32 $0xFFFFFFF0, v49  }
0x25d: {  	v3 =	vor.u32 v3, v4  }
0x25e: {  	v4 =	vperm.xlane v3, v0;
	_ =	sdelay $0x1  }
0x25f: {  	v3 =	vperm.xlane v3, v2;
	v4 =	vadd.s32 v1, v4;
	_ =	sdelay $0x1  }
0x260: {  	v3 =	vadd.s32 v1, v3;
	_ =	sdelay $0x1  }
0x261: {  	s16 =	simm.s32 $0x15800  }
0x262: {  	[tilespmem:s16], [sflag:$0x6] =	stream.indirect_vreg.gather [hbm4b:s1+s3], $0x80, v4, vm0, $0xb8;
	[tilespmem:$0x1C800] =	vst v63  }
0x263: {  	s17 =	simm.s32 $0x16000  }
0x264: {  	[tilespmem:s17], [sflag:$0x6] =	stream.indirect_vreg.gather [hbm4b:s1+s3], $0x80, v3, vm0, $0xb8;
	[tilespmem:$0x1C800] =	vst v63  }
0x265: {  	v3 =	vld [tilespmem:$0x620];
	_ =	sdelay $0x4  }
0x266: {  	v50 =	vshll.u32 v3, $0x1  }
0x267: {  	v3 =	vand.u32 $0x7, v3;
	v4 =	vand.u32 $0xFFFFFFF0, v50  }
0x268: {  	v3 =	vor.u32 v3, v4  }
0x269: {  	v4 =	vperm.xlane v3, v0;
	_ =	sdelay $0x1  }
0x26a: {  	v3 =	vperm.xlane v3, v2;
	v4 =	vadd.s32 v1, v4;
	_ =	sdelay $0x1  }
0x26b: {  	v3 =	vadd.s32 v1, v3;
	_ =	sdelay $0x1  }
0x26c: {  	s13 =	simm.s32 $0x16800  }
0x26d: {  	[tilespmem:s13], [sflag:$0x6] =	stream.indirect_vreg.gather [hbm4b:s1+s3], $0x80, v4, vm0, $0xb8;
	[tilespmem:$0x1C800] =	vst v63  }
0x26e: {  	s16 =	simm.s32 $0x17000  }
0x26f: {  	[tilespmem:s16], [sflag:$0x6] =	stream.indirect_vreg.gather [hbm4b:s1+s3], $0x80, v3, vm0, $0xb8;
	[tilespmem:$0x1C800] =	vst v63  }
0x270: {  	v3 =	vld [tilespmem:$0x630];
	_ =	sdelay $0x4  }
0x271: {  	v51 =	vshll.u32 v3, $0x1  }
0x272: {  	v3 =	vand.u32 $0x7, v3;
	v4 =	vand.u32 $0xFFFFFFF0, v51  }
0x273: {  	v3 =	vor.u32 v3, v4  }
0x274: {  	v4 =	vperm.xlane v3, v0;
	_ =	sdelay $0x1  }
0x275: {  	v3 =	vperm.xlane v3, v2;
	v4 =	vadd.s32 v1, v4;
	_ =	sdelay $0x1  }
0x276: {  	v3 =	vadd.s32 v1, v3;
	_ =	sdelay $0x1  }
0x277: {  	s17 =	simm.s32 $0x17800  }
0x278: {  	[tilespmem:s17], [sflag:$0x6] =	stream.indirect_vreg.gather [hbm4b:s1+s3], $0x80, v4, vm0, $0xb8;
	[tilespmem:$0x1C800] =	vst v63  }
0x279: {  	s12 =	simm.s32 $0x7;
	s13 =	simm.s32 $0x18000  }
0x27a: {  	[tilespmem:s13], [sflag:$0x6] =	stream.indirect_vreg.gather [hbm4b:s1+s3], $0x80, v3, vm0, $0xb8;
	[tilespmem:$0x1C800] =	vst v63  }
0x27b: {  	_ =	swait.ge [sflag:s12], $0x4000  }
0x27c: {  	[sflag:s12] =	ssyncset.done $0x0  }
0x27d: {  	s13 =	simm.s32 $0xE;
	s16 =	rddreg [dreg:$0xb];
	[sflag:s12] =	ssyncadd.s32 $0xFFFFC000  }
0x27e: {  	[hbm4b:s16+s3] =	stream.linear.scatter [tilespmem:s2], [sflag:$0xE], $0x4000, $0x38;
	[tilespmem:$0x1C800] =	vst v63  }
0x27f: {  	_ =	swait.ge [sflag:s13], $0x4000  }
0x280: {  	[sflag:s13] =	ssyncset.done $0x0  }
0x281: {  	[sflag:s13] =	ssyncadd.s32 $0xFFFFC000  }
0x282: {  	v3 =	vld [tilespmem:$0x680];
	_ =	sdelay $0x4  }
0x283: {  	v52 =	vshll.u32 v3, $0x1  }
0x284: {  	v3 =	vand.u32 $0x7, v3;
	v4 =	vand.u32 $0xFFFFFFF0, v52  }
0x285: {  	v3 =	vor.u32 v3, v4  }
0x286: {  	v4 =	vperm.xlane v3, v0;
	_ =	sdelay $0x1  }
0x287: {  	v3 =	vperm.xlane v3, v2;
	v4 =	vadd.s32 v1, v4;
	_ =	sdelay $0x1  }
0x288: {  	v3 =	vadd.s32 v1, v3;
	_ =	sdelay $0x2  }
0x289: {  	[tilespmem:s2], [sflag:$0x7] =	stream.indirect_vreg.gather [hbm4b:s1+s3], $0x80, v4, vm0, $0xb8;
	[tilespmem:$0x1C800] =	vst v63  }
0x28a: {  	s17 =	simm.s32 $0x19000  }
0x28b: {  	[tilespmem:s17], [sflag:$0x7] =	stream.indirect_vreg.gather [hbm4b:s1+s3], $0x80, v3, vm0, $0xb8;
	[tilespmem:$0x1C800] =	vst v63  }
0x28c: {  	v3 =	vld [tilespmem:$0x690];
	_ =	sdelay $0x4  }
0x28d: {  	v53 =	vshll.u32 v3, $0x1  }
0x28e: {  	v3 =	vand.u32 $0x7, v3;
	v4 =	vand.u32 $0xFFFFFFF0, v53  }
0x28f: {  	v3 =	vor.u32 v3, v4  }
0x290: {  	v4 =	vperm.xlane v3, v0;
	_ =	sdelay $0x1  }
0x291: {  	v3 =	vperm.xlane v3, v2;
	v4 =	vadd.s32 v1, v4;
	_ =	sdelay $0x1  }
0x292: {  	v3 =	vadd.s32 v1, v3;
	_ =	sdelay $0x1  }
0x293: {  	s17 =	simm.s32 $0x19800  }
0x294: {  	[tilespmem:s17], [sflag:$0x7] =	stream.indirect_vreg.gather [hbm4b:s1+s3], $0x80, v4, vm0, $0xb8;
	[tilespmem:$0x1C800] =	vst v63  }
0x295: {  	s17 =	simm.s32 $0x1A000  }
0x296: {  	[tilespmem:s17], [sflag:$0x7] =	stream.indirect_vreg.gather [hbm4b:s1+s3], $0x80, v3, vm0, $0xb8;
	[tilespmem:$0x1C800] =	vst v63  }
0x297: {  	v3 =	vld [tilespmem:$0x6A0];
	_ =	sdelay $0x4  }
0x298: {  	v54 =	vshll.u32 v3, $0x1  }
0x299: {  	v3 =	vand.u32 $0x7, v3;
	v4 =	vand.u32 $0xFFFFFFF0, v54  }
0x29a: {  	v3 =	vor.u32 v3, v4  }
0x29b: {  	v4 =	vperm.xlane v3, v0;
	_ =	sdelay $0x1  }
0x29c: {  	v3 =	vperm.xlane v3, v2;
	v4 =	vadd.s32 v1, v4;
	_ =	sdelay $0x1  }
0x29d: {  	v3 =	vadd.s32 v1, v3;
	_ =	sdelay $0x1  }
0x29e: {  	s17 =	simm.s32 $0x1A800  }
0x29f: {  	[tilespmem:s17], [sflag:$0x7] =	stream.indirect_vreg.gather [hbm4b:s1+s3], $0x80, v4, vm0, $0xb8;
	[tilespmem:$0x1C800] =	vst v63  }
0x2a0: {  	s17 =	simm.s32 $0x1B000  }
0x2a1: {  	[tilespmem:s17], [sflag:$0x7] =	stream.indirect_vreg.gather [hbm4b:s1+s3], $0x80, v3, vm0, $0xb8;
	[tilespmem:$0x1C800] =	vst v63  }
0x2a2: {  	v3 =	vld [tilespmem:$0x6B0];
	_ =	sdelay $0x4  }
0x2a3: {  	v55 =	vshll.u32 v3, $0x1  }
0x2a4: {  	v3 =	vand.u32 $0x7, v3;
	v4 =	vand.u32 $0xFFFFFFF0, v55  }
0x2a5: {  	v3 =	vor.u32 v3, v4  }
0x2a6: {  	v4 =	vperm.xlane v3, v0;
	_ =	sdelay $0x1  }
0x2a7: {  	v3 =	vperm.xlane v3, v2;
	v4 =	vadd.s32 v1, v4;
	_ =	sdelay $0x1  }
0x2a8: {  	v3 =	vadd.s32 v1, v3;
	_ =	sdelay $0x1  }
0x2a9: {  	s17 =	simm.s32 $0x1B800  }
0x2aa: {  	[tilespmem:s17], [sflag:$0x7] =	stream.indirect_vreg.gather [hbm4b:s1+s3], $0x80, v4, vm0, $0xb8;
	[tilespmem:$0x1C800] =	vst v63  }
0x2ab: {  	s17 =	simm.s32 $0x1C000  }
0x2ac: {  	[tilespmem:s17], [sflag:$0x7] =	stream.indirect_vreg.gather [hbm4b:s1+s3], $0x80, v3, vm0, $0xb8;
	[tilespmem:$0x1C800] =	vst v63  }
0x2ad: {  	_ =	swait.ge [sflag:s29], $0x4000  }
0x2ae: {  	[sflag:s29] =	ssyncset.done $0x0  }
0x2af: {  	s16 =	rddreg [dreg:$0xc];
	[sflag:s29] =	ssyncadd.s32 $0xFFFFC000  }
0x2b0: {  	[hbm4b:s16+s3] =	stream.linear.scatter [tilespmem:s15], [sflag:$0x8], $0x4000, $0x38;
	[tilespmem:$0x1C800] =	vst v63  }
0x2b1: {  	_ =	swait.ge [sflag:s30], $0x4000  }
0x2b2: {  	[sflag:s30] =	ssyncset.done $0x0  }
0x2b3: {  	[sflag:s30] =	ssyncadd.s32 $0xFFFFC000  }
0x2b4: {  	v3 =	vld [tilespmem:$0x700];
	_ =	sdelay $0x4  }
0x2b5: {  	v56 =	vshll.u32 v3, $0x1  }
0x2b6: {  	v3 =	vand.u32 $0x7, v3;
	v4 =	vand.u32 $0xFFFFFFF0, v56  }
0x2b7: {  	v3 =	vor.u32 v3, v4  }
0x2b8: {  	v4 =	vperm.xlane v3, v0;
	_ =	sdelay $0x1  }
0x2b9: {  	v3 =	vperm.xlane v3, v2;
	v4 =	vadd.s32 v1, v4;
	_ =	sdelay $0x1  }
0x2ba: {  	v3 =	vadd.s32 v1, v3;
	_ =	sdelay $0x2  }
0x2bb: {  	[tilespmem:s15], [sflag:$0x1] =	stream.indirect_vreg.gather [hbm4b:s1+s3], $0x80, v4, vm0, $0xb8;
	[tilespmem:$0x1C800] =	vst v63  }
0x2bc: {  	s17 =	simm.s32 $0x1000  }
0x2bd: {  	[tilespmem:s17], [sflag:$0x1] =	stream.indirect_vreg.gather [hbm4b:s1+s3], $0x80, v3, vm0, $0xb8;
	[tilespmem:$0x1C800] =	vst v63  }
0x2be: {  	v3 =	vld [tilespmem:$0x710];
	_ =	sdelay $0x4  }
0x2bf: {  	v57 =	vshll.u32 v3, $0x1  }
0x2c0: {  	v3 =	vand.u32 $0x7, v3;
	v4 =	vand.u32 $0xFFFFFFF0, v57  }
0x2c1: {  	v3 =	vor.u32 v3, v4  }
0x2c2: {  	v4 =	vperm.xlane v3, v0;
	_ =	sdelay $0x1  }
0x2c3: {  	v3 =	vperm.xlane v3, v2;
	v4 =	vadd.s32 v1, v4;
	_ =	sdelay $0x1  }
0x2c4: {  	v3 =	vadd.s32 v1, v3;
	_ =	sdelay $0x1  }
0x2c5: {  	s17 =	simm.s32 $0x1800  }
0x2c6: {  	[tilespmem:s17], [sflag:$0x1] =	stream.indirect_vreg.gather [hbm4b:s1+s3], $0x80, v4, vm0, $0xb8;
	[tilespmem:$0x1C800] =	vst v63  }
0x2c7: {  	s17 =	simm.s32 $0x2000  }
0x2c8: {  	[tilespmem:s17], [sflag:$0x1] =	stream.indirect_vreg.gather [hbm4b:s1+s3], $0x80, v3, vm0, $0xb8;
	[tilespmem:$0x1C800] =	vst v63  }
0x2c9: {  	v3 =	vld [tilespmem:$0x720];
	_ =	sdelay $0x4  }
0x2ca: {  	v58 =	vshll.u32 v3, $0x1  }
0x2cb: {  	v3 =	vand.u32 $0x7, v3;
	v4 =	vand.u32 $0xFFFFFFF0, v58  }
0x2cc: {  	v3 =	vor.u32 v3, v4  }
0x2cd: {  	v4 =	vperm.xlane v3, v0;
	_ =	sdelay $0x1  }
0x2ce: {  	v3 =	vperm.xlane v3, v2;
	v4 =	vadd.s32 v1, v4;
	_ =	sdelay $0x1  }
0x2cf: {  	v3 =	vadd.s32 v1, v3;
	_ =	sdelay $0x1  }
0x2d0: {  	s17 =	simm.s32 $0x2800  }
0x2d1: {  	[tilespmem:s17], [sflag:$0x1] =	stream.indirect_vreg.gather [hbm4b:s1+s3], $0x80, v4, vm0, $0xb8;
	[tilespmem:$0x1C800] =	vst v63  }
0x2d2: {  	s17 =	simm.s32 $0x3000  }
0x2d3: {  	[tilespmem:s17], [sflag:$0x1] =	stream.indirect_vreg.gather [hbm4b:s1+s3], $0x80, v3, vm0, $0xb8;
	[tilespmem:$0x1C800] =	vst v63  }
0x2d4: {  	v3 =	vld [tilespmem:$0x730];
	_ =	sdelay $0x4  }
0x2d5: {  	v59 =	vshll.u32 v3, $0x1  }
0x2d6: {  	v3 =	vand.u32 $0x7, v3;
	v4 =	vand.u32 $0xFFFFFFF0, v59  }
0x2d7: {  	v3 =	vor.u32 v3, v4  }
0x2d8: {  	v4 =	vperm.xlane v3, v0;
	_ =	sdelay $0x1  }
0x2d9: {  	v3 =	vperm.xlane v3, v2;
	v4 =	vadd.s32 v1, v4;
	_ =	sdelay $0x1  }
0x2da: {  	v3 =	vadd.s32 v1, v3;
	_ =	sdelay $0x1  }
0x2db: {  	s17 =	simm.s32 $0x3800  }
0x2dc: {  	[tilespmem:s17], [sflag:$0x1] =	stream.indirect_vreg.gather [hbm4b:s1+s3], $0x80, v4, vm0, $0xb8;
	[tilespmem:$0x1C800] =	vst v63  }
0x2dd: {  	s17 =	simm.s32 $0x4000  }
0x2de: {  	[tilespmem:s17], [sflag:$0x1] =	stream.indirect_vreg.gather [hbm4b:s1+s3], $0x80, v3, vm0, $0xb8;
	[tilespmem:$0x1C800] =	vst v63  }
0x2df: {  	_ =	swait.ge [sflag:s24], $0x4000  }
0x2e0: {  	[sflag:s24] =	ssyncset.done $0x0  }
0x2e1: {  	s16 =	rddreg [dreg:$0xd];
	[sflag:s24] =	ssyncadd.s32 $0xFFFFC000  }
0x2e2: {  	[hbm4b:s16+s3] =	stream.linear.scatter [tilespmem:s28], [sflag:$0x9], $0x4000, $0x38;
	[tilespmem:$0x1C800] =	vst v63  }
0x2e3: {  	_ =	swait.ge [sflag:s26], $0x4000  }
0x2e4: {  	[sflag:s26] =	ssyncset.done $0x0  }
0x2e5: {  	[sflag:s26] =	ssyncadd.s32 $0xFFFFC000  }
0x2e6: {  	v3 =	vld [tilespmem:$0x780];
	_ =	sdelay $0x4  }
0x2e7: {  	v60 =	vshll.u32 v3, $0x1  }
0x2e8: {  	v3 =	vand.u32 $0x7, v3;
	v4 =	vand.u32 $0xFFFFFFF0, v60  }
0x2e9: {  	v3 =	vor.u32 v3, v4  }
0x2ea: {  	v4 =	vperm.xlane v3, v0;
	_ =	sdelay $0x1  }
0x2eb: {  	v3 =	vperm.xlane v3, v2;
	v4 =	vadd.s32 v1, v4;
	_ =	sdelay $0x1  }
0x2ec: {  	v3 =	vadd.s32 v1, v3;
	_ =	sdelay $0x2  }
0x2ed: {  	[tilespmem:s28], [sflag:$0x2] =	stream.indirect_vreg.gather [hbm4b:s1+s3], $0x80, v4, vm0, $0xb8;
	[tilespmem:$0x1C800] =	vst v63  }
0x2ee: {  	s17 =	simm.s32 $0x5000  }
0x2ef: {  	[tilespmem:s17], [sflag:$0x2] =	stream.indirect_vreg.gather [hbm4b:s1+s3], $0x80, v3, vm0, $0xb8;
	[tilespmem:$0x1C800] =	vst v63  }
0x2f0: {  	v3 =	vld [tilespmem:$0x790];
	_ =	sdelay $0x4  }
0x2f1: {  	v61 =	vshll.u32 v3, $0x1  }
0x2f2: {  	v3 =	vand.u32 $0x7, v3;
	v4 =	vand.u32 $0xFFFFFFF0, v61  }
0x2f3: {  	v3 =	vor.u32 v3, v4  }
0x2f4: {  	v4 =	vperm.xlane v3, v0;
	_ =	sdelay $0x1  }
0x2f5: {  	v3 =	vperm.xlane v3, v2;
	v4 =	vadd.s32 v1, v4;
	_ =	sdelay $0x1  }
0x2f6: {  	v3 =	vadd.s32 v1, v3;
	_ =	sdelay $0x1  }
0x2f7: {  	s17 =	simm.s32 $0x5800  }
0x2f8: {  	[tilespmem:s17], [sflag:$0x2] =	stream.indirect_vreg.gather [hbm4b:s1+s3], $0x80, v4, vm0, $0xb8;
	[tilespmem:$0x1C800] =	vst v63  }
0x2f9: {  	s17 =	simm.s32 $0x6000  }
0x2fa: {  	[tilespmem:s17], [sflag:$0x2] =	stream.indirect_vreg.gather [hbm4b:s1+s3], $0x80, v3, vm0, $0xb8;
	[tilespmem:$0x1C800] =	vst v63  }
0x2fb: {  	v3 =	vld [tilespmem:$0x7A0];
	_ =	sdelay $0x4  }
0x2fc: {  	v62 =	vshll.u32 v3, $0x1  }
0x2fd: {  	v3 =	vand.u32 $0x7, v3;
	v4 =	vand.u32 $0xFFFFFFF0, v62  }
0x2fe: {  	v3 =	vor.u32 v3, v4  }
0x2ff: {  	v4 =	vperm.xlane v3, v0;
	_ =	sdelay $0x1  }
0x300: {  	v3 =	vperm.xlane v3, v2;
	v4 =	vadd.s32 v1, v4;
	_ =	sdelay $0x1  }
0x301: {  	v3 =	vadd.s32 v1, v3;
	_ =	sdelay $0x1  }
0x302: {  	s17 =	simm.s32 $0x6800  }
0x303: {  	[tilespmem:s17], [sflag:$0x2] =	stream.indirect_vreg.gather [hbm4b:s1+s3], $0x80, v4, vm0, $0xb8;
	[tilespmem:$0x1C800] =	vst v63  }
0x304: {  	s17 =	simm.s32 $0x7000  }
0x305: {  	[tilespmem:s17], [sflag:$0x2] =	stream.indirect_vreg.gather [hbm4b:s1+s3], $0x80, v3, vm0, $0xb8;
	[tilespmem:$0x1C800] =	vst v63  }
0x306: {  	v3 =	vld [tilespmem:$0x7B0];
	_ =	sdelay $0x4  }
0x307: {  	v63 =	vshll.u32 v3, $0x1  }
0x308: {  	v3 =	vand.u32 $0x7, v3;
	v4 =	vand.u32 $0xFFFFFFF0, v63  }
0x309: {  	v3 =	vor.u32 v3, v4  }
0x30a: {  	v4 =	vperm.xlane v3, v0;
	_ =	sdelay $0x1  }
0x30b: {  	v3 =	vperm.xlane v3, v2;
	v4 =	vadd.s32 v1, v4;
	_ =	sdelay $0x1  }
0x30c: {  	v3 =	vadd.s32 v1, v3;
	_ =	sdelay $0x1  }
0x30d: {  	s17 =	simm.s32 $0x7800  }
0x30e: {  	[tilespmem:s17], [sflag:$0x2] =	stream.indirect_vreg.gather [hbm4b:s1+s3], $0x80, v4, vm0, $0xb8;
	[tilespmem:$0x1C800] =	vst v63  }
0x30f: {  	s17 =	simm.s32 $0x8000  }
0x310: {  	[tilespmem:s17], [sflag:$0x2] =	stream.indirect_vreg.gather [hbm4b:s1+s3], $0x80, v3, vm0, $0xb8;
	[tilespmem:$0x1C800] =	vst v63  }
0x311: {  	_ =	swait.ge [sflag:s7], $0x4000  }
0x312: {  	[sflag:s7] =	ssyncset.done $0x0  }
0x313: {  	s16 =	simm.s32 $0x8800;
	s17 =	rddreg [dreg:$0xe];
	[sflag:s7] =	ssyncadd.s32 $0xFFFFC000  }
0x314: {  	[hbm4b:s17+s3] =	stream.linear.scatter [tilespmem:s16], [sflag:$0xA], $0x4000, $0x38;
	[tilespmem:$0x1C800] =	vst v63  }
0x315: {  	_ =	swait.ge [sflag:s4], $0x4000  }
0x316: {  	[sflag:s4] =	ssyncset.done $0x0  }
0x317: {  	s0 =	simm.s32 $0xC800;
	s16 =	rddreg [dreg:$0xf];
	[sflag:s4] =	ssyncadd.s32 $0xFFFFC000  }
0x318: {  	[hbm4b:s16+s3] =	stream.linear.scatter [tilespmem:s0], [sflag:$0xB], $0x4000, $0x38;
	[tilespmem:$0x1C800] =	vst v63  }
0x319: {  	_ =	swait.ge [sflag:s8], $0x4000  }
0x31a: {  	[sflag:s8] =	ssyncset.done $0x0  }
0x31b: {  	s19 =	simm.s32 $0x10800;
	s7 =	rddreg [dreg:$0x10];
	[sflag:s8] =	ssyncadd.s32 $0xFFFFC000  }
0x31c: {  	[hbm4b:s7+s3] =	stream.linear.scatter [tilespmem:s19], [sflag:$0xC], $0x4000, $0x38;
	[tilespmem:$0x1C800] =	vst v63  }
0x31d: {  	_ =	swait.ge [sflag:s10], $0x4000  }
0x31e: {  	[sflag:s10] =	ssyncset.done $0x0  }
0x31f: {  	s8 =	rddreg [dreg:$0x11];
	[sflag:s10] =	ssyncadd.s32 $0xFFFFC000  }
0x320: {  	[hbm4b:s8+s3] =	stream.linear.scatter [tilespmem:s14], [sflag:$0xD], $0x4000, $0x38;
	[tilespmem:$0x1C800] =	vst v63  }
0x321: {  	_ =	swait.ge [sflag:s12], $0x4000  }
0x322: {  	[sflag:s12] =	ssyncset.done $0x0  }
0x323: {  	s10 =	rddreg [dreg:$0x12];
	[sflag:s12] =	ssyncadd.s32 $0xFFFFC000  }
0x324: {  	[hbm4b:s10+s3] =	stream.linear.scatter [tilespmem:s2], [sflag:$0xE], $0x4000, $0x38;
	[tilespmem:$0x1C800] =	vst v63  }
0x325: {  	_ =	swait.ge [sflag:s29], $0x4000  }
0x326: {  	[sflag:s29] =	ssyncset.done $0x0  }
0x327: {  	s16 =	rddreg [dreg:$0x13];
	[sflag:s29] =	ssyncadd.s32 $0xFFFFC000  }
0x328: {  	[hbm4b:s16+s3] =	stream.linear.scatter [tilespmem:s15], [sflag:$0x8], $0x4000, $0x38;
	[tilespmem:$0x1C800] =	vst v63  }
0x329: {  	_ =	swait.ge [sflag:s24], $0x4000  }
0x32a: {  	[sflag:s24] =	ssyncset.done $0x0  }
0x32b: {  	s19 =	rddreg [dreg:$0x14];
	[sflag:s24] =	ssyncadd.s32 $0xFFFFC000  }
0x32c: {  	[hbm4b:s19+s3] =	stream.linear.scatter [tilespmem:s28], [sflag:$0x9], $0x4000, $0x38;
	[tilespmem:$0x1C800] =	vst v63  }
0x32d: {  	_ =	swait.ge [sflag:s18], $0x4000  }
0x32e: {  	[sflag:s18] =	ssyncset.done $0x0  }
0x32f: {  	[sflag:s18] =	ssyncadd.s32 $0xFFFFC000  }
0x330: {  	_ =	swait.ge [sflag:s6], $0x4000  }
0x331: {  	[sflag:s6] =	ssyncset.done $0x0  }
0x332: {  	[sflag:s6] =	ssyncadd.s32 $0xFFFFC000  }
0x333: {  	_ =	swait.ge [sflag:s9], $0x4000  }
0x334: {  	[sflag:s9] =	ssyncset.done $0x0  }
0x335: {  	[sflag:s9] =	ssyncadd.s32 $0xFFFFC000  }
0x336: {  	_ =	swait.ge [sflag:s11], $0x4000  }
0x337: {  	[sflag:s11] =	ssyncset.done $0x0  }
0x338: {  	[sflag:s11] =	ssyncadd.s32 $0xFFFFC000  }
0x339: {  	_ =	swait.ge [sflag:s13], $0x4000  }
0x33a: {  	[sflag:s13] =	ssyncset.done $0x0  }
0x33b: {  	[sflag:s13] =	ssyncadd.s32 $0xFFFFC000  }
0x33c: {  	p0 =	sne.s32 s5, $0x1;
	_ =	swait.ge [sflag:s30], $0x4000  }
.Ltmp0:
0x33d: {  	[sflag:s30] =	ssyncset.done $0x0;
	(pc) =	sbr.rel @p0 .LBB2_1-.Ltmp0, $4  }
0x33e: {  	[sflag:s30] =	ssyncadd.s32 $0xFFFFC000  }
0x33f: {  	_ =	swait.ge [sflag:s26], $0x4000  }
0x340: {  	[sflag:s26] =	ssyncset.done $0x0  }
0x341: {  	s5 =	sadd.s32 $0xFFFFFFFF, s5;
	[sflag:s26] =	ssyncadd.s32 $0xFFFFC000  }
0x342: {  	_ =	sfence.sel $0x180000  }
0x343: {  	[bflag:$0x0] =	sbarrier.arrive $0xFFFF  }
0x344: {  	_ =	strace $0x90000047  }
0x345: {  	s0 =	stileid.u32;
	[bflag:$0x2] =	sbarrier.arrive $0xFFFF  }
0x346: {  	p0 =	sne.s32 s0, $0x0;
	s0 =	rddreg [dreg:$0x3]  }
0x347: {  	s0 =	sadd.s32 @!p0 $0x100000, s0  }
0x348: {  	[sflag:s0] =	ssyncadd.tile.s32 @!p0 $0x1;
	_ =	shalt  }
.Lfunc_end2:
_tile_overlayer_lowered:
.L_overlay_start_2:
0x349: {  	(tag) =	ssettag $0x2  }
0x34a: {  	s0 =	rddreg [dreg:$0x0];
	s2 =	stileid.u32  }
0x34b: {  	s1 =	rddreg [dreg:$0x1];
	p0 =	sne.s32 s2, $0x0  }
0x34c: {  	s3 =	rddreg [dreg:$0x2];
	[bflag:$0x3] =	sbarrier.arrive $0xFFFF;
	s2 =	simm.s32 @!p0 $0x1C0F  }
0x34d: {  	[timem:s3], [sflag:s2] =	dma.local @!p0 [hbm:s0], s1  }
0x34e: {  	s0 =	simm.s32 @!p0 $0xF  }
0x34f: {  	_ =	swait.ge @!p0 [sflag:s0], s1  }
0x350: {  	s1 =	ssub.s32 @!p0 $0x0, s1;
	[sflag:s0] =	ssyncset.done @!p0 $0x0  }
0x351: {  	[sflag:s0] =	ssyncadd.s32 @!p0 s1  }
0x352: {  	[bflag:$0x3] =	sbarrier.arrive $0xFFFF  }
0x353: {  	_ =	shalt  }

</sc_bundles>
